<compile_context>
chip_gen: v7x
topology: tpu7x:2x2x1
jax: 0.10.2.dev20260603
libtpu: 0.0.44.dev20260713+nightly
codegen_flags: <defaults>
</compile_context>

<pallas_src>
import functools

import jax
import jax.numpy as jnp
from jax import lax
from jax.experimental import pallas as pl
from jax.experimental.pallas import tpu as pltpu
from jax.experimental.pallas import tpu_sc as plsc

_CHUNK = 128
_NBUF = 5


def _sc_embed(comb_idx, wte, avg2, var2, nz2, pidx, pdst, n_rows, n_workers):
    rows_per_w = n_rows // n_workers
    n_chunks = rows_per_w // _CHUNK
    n_steps = n_chunks // _NBUF
    pref_per_w = pidx.shape[1]
    pw = pidx.shape[2]
    d = wte.shape[1]

    mesh = plsc.VectorSubcoreMesh(core_axis_name="c", subcore_axis_name="s")

    @functools.partial(
        pl.kernel,
        mesh=mesh,
        out_type=jax.ShapeDtypeStruct((n_rows, d), jnp.float32),
        scratch_types=(
            [pltpu.VMEM((n_chunks, _CHUNK), jnp.int32)]
            + [pltpu.VMEM((_CHUNK, d), jnp.float32) for _ in range(_NBUF)]
            + [pltpu.VMEM((pref_per_w, pw), jnp.int32),
               pltpu.VMEM((pref_per_w, pw), jnp.int32),
               pltpu.VMEM((pw, d), jnp.float32),
               pltpu.VMEM((pw, d), jnp.float32),
               pltpu.VMEM((pw, d), jnp.float32)]
            + [pltpu.SemaphoreType.DMA for _ in range(2 * _NBUF + 1)]
        ),
    )
    def k(cidx_hbm, wte_hbm, avg_hbm, var_hbm, nz_hbm, pidx_hbm, pdst_hbm,
          out_hbm, *refs):
        idx_v = refs[0]
        rows = refs[1:1 + _NBUF]
        pidx_v, pdst_v, avg_v, var_v, nz_v = refs[1 + _NBUF:6 + _NBUF]
        gsem = refs[6 + _NBUF:6 + 3 * _NBUF]
        psem = refs[6 + 3 * _NBUF]

        nc = lax.axis_size("c")
        wid = lax.axis_index("s") * nc + lax.axis_index("c")
        w_base = wid * rows_per_w

        pltpu.sync_copy(cidx_hbm.at[wid], idx_v)

        def g_desc(b, i):
            return pltpu.make_async_copy(wte_hbm.at[idx_v.at[i]], rows[b],
                                         gsem[b])

        def w_desc(b, i):
            base = pl.multiple_of(w_base + i * _CHUNK, _CHUNK)
            return pltpu.make_async_copy(rows[b],
                                         out_hbm.at[pl.ds(base, _CHUNK)],
                                         gsem[_NBUF + b])

        for b in range(_NBUF):
            g_desc(b, b).start()

        def step(s, carry):
            for b in range(_NBUF):
                g_desc(b, 0).wait()
                w_desc(b, s * _NBUF + b).start()
            for b in range(_NBUF):
                w_desc(b, 0).wait()
                g_desc(b, s * _NBUF + b + _NBUF).start()
            return carry

        lax.fori_loop(0, n_steps - 1, step, 0)
        s_last = n_steps - 1
        for b in range(_NBUF):
            g_desc(b, 0).wait()
            w_desc(b, s_last * _NBUF + b).start()
        for b in range(_NBUF):
            w_desc(b, 0).wait()

        pltpu.sync_copy(pidx_hbm.at[wid], pidx_v)
        pltpu.sync_copy(pdst_hbm.at[wid], pdst_v)
        for j in range(pref_per_w):
            da = pltpu.make_async_copy(avg_hbm.at[pidx_v.at[j]], avg_v, psem)
            dv = pltpu.make_async_copy(var_hbm.at[pidx_v.at[j]], var_v, psem)
            dn = pltpu.make_async_copy(nz_hbm.at[pidx_v.at[j]], nz_v, psem)
            da.start(); dv.start(); dn.start()
            da.wait(); dv.wait(); dn.wait()

            def comb_body(i, carry):
                for t in range(d // 16):
                    s = pl.ds(t * 16, 16)
                    avg_v[i, s] = avg_v[i, s] + var_v[i, s] * nz_v[i, s]
                return carry

            lax.fori_loop(0, pw, comb_body, 0)
            ds_ = pltpu.make_async_copy(avg_v, out_hbm.at[pdst_v.at[j]], psem)
            ds_.start()
            ds_.wait()

    return k(comb_idx, wte, avg2, var2, nz2, pidx, pdst)


def kernel(tokens, wte_weight, avgs, vars_):
    batch, seq = tokens.shape
    n_clients, n_pref, d = avgs.shape
    n_rows = batch * seq
    n_workers = 32

    comb_idx = jnp.roll(tokens, -n_pref, axis=1).reshape(n_workers, -1, _CHUNK)

    noise = jnp.zeros(avgs.shape, dtype=jnp.float32)
    client = (tokens[:, 0] - 1) % n_clients
    pidx = (client[:, None] * n_pref + jnp.arange(n_pref, dtype=jnp.int32)
            ).astype(jnp.int32).reshape(-1)
    pdst = (jnp.arange(batch, dtype=jnp.int32)[:, None] * seq + (seq - n_pref)
            + jnp.arange(n_pref, dtype=jnp.int32)).reshape(-1)
    n_pr = batch * n_pref // (80 * n_workers)
    pidx = pidx.reshape(n_workers, n_pr, 80)
    pdst = pdst.reshape(n_workers, n_pr, 80)

    out_flat = _sc_embed(
        comb_idx, wte_weight,
        avgs.reshape(n_clients * n_pref, d),
        vars_.reshape(n_clients * n_pref, d),
        noise.reshape(n_clients * n_pref, d),
        pidx, pdst, n_rows, n_workers)
    return out_flat.reshape(batch, seq, d)

# --- scband reference (transcript-rebuilt; emitter-appended) ---
"""Pipeline reference for scband-soft-client-embedding-gaussian-16003048145472 (READ-ONLY COPY).

The authoritative reference and input builder live on the scoring server;
editing this copy changes nothing except your own understanding.
"""

import jax, jax.numpy as jnp
import numpy as np

N_TOKENS = 5
NUM_CLIENTS = 1000
VOCAB = 100000
EMBED_DIM = 128
BATCH = 1024
SEQ = 200


def setup_inputs(seed: int = 0) -> dict:
    key = jax.random.key(seed)
    k1, k2, k3 = jax.random.split(key, 3)
    # tokens[:, 0] is the client id (1-indexed in the original module);
    # values drawn in [0, NUM_CLIENTS) are also valid wte vocab ids since NUM_CLIENTS <= VOCAB.
    tokens = jax.random.randint(k1, (BATCH, SEQ), 0, NUM_CLIENTS, dtype=jnp.int32)
    # learned embedding table (wte.weight)
    wte_weight = jax.random.normal(k2, (VOCAB, EMBED_DIM), dtype=jnp.float32) * 0.02
    # per-client gaussian prefix parameters: avgs stacked, vars = ones scaled by 0.2
    # (small_std_ratio=1 means every client's std gets the 0.2 factor)
    avgs = jax.random.normal(k3, (NUM_CLIENTS, N_TOKENS, EMBED_DIM), dtype=jnp.float32)
    vars_ = 0.2 * jnp.ones((NUM_CLIENTS, N_TOKENS, EMBED_DIM), dtype=jnp.float32)
    return {"tokens": tokens, "wte_weight": wte_weight, "avgs": avgs, "vars_": vars_}


def reference(tokens, wte_weight, avgs, vars_):
    # input_embedding = self.wte(tokens[:, self.n_tokens:])
    input_embedding = jnp.take(wte_weight, tokens[:, N_TOKENS:], axis=0)
    # client_idx = tokens[:, 0]
    client_idx = tokens[:, 0]
    # sample_prefix = torch.normal(mean=self.avgs, std=self.vars)
    noise = jax.random.normal(jax.random.key(42), avgs.shape, dtype=jnp.float32)
    sample_prefix = avgs + vars_ * noise
    # prefix = sample_prefix[client_idx - 1]  (negative index -1 wraps, matching torch)
    prefix = sample_prefix[client_idx - 1]
    # fp16=False, so no bfloat16 cast
    return jnp.concatenate([input_embedding, prefix], axis=1)

if __name__ == "__main__":
    import jax
    _d = setup_inputs()
    print(jax.jit(kernel)(*tuple(_d.values())))

</pallas_src>

<mosaic_0001>
#map = affine_map<(d0, d1) -> (0, 0, 0)>
#map1 = affine_map<(d0, d1) -> (0, 0)>
module attributes {stable_mosaic.version = 14 : i64} {
  func.func @k(%arg0: i32, %arg1: i32, %arg2: memref<32x50x128xi32, #tpu.memory_space<hbm>>, %arg3: memref<100000x128xf32, #tpu.memory_space<hbm>>, %arg4: memref<5000x128xf32, #tpu.memory_space<hbm>>, %arg5: memref<5000x128xf32, #tpu.memory_space<hbm>>, %arg6: memref<5000x128xf32, #tpu.memory_space<hbm>>, %arg7: memref<32x2x80xi32, #tpu.memory_space<hbm>>, %arg8: memref<32x2x80xi32, #tpu.memory_space<hbm>>, %arg9: memref<204800x128xf32, #tpu.memory_space<hbm>>, %arg10: memref<50x128xi32, #tpu.memory_space<vmem>>, %arg11: memref<128x128xf32, #tpu.memory_space<vmem>>, %arg12: memref<128x128xf32, #tpu.memory_space<vmem>>, %arg13: memref<128x128xf32, #tpu.memory_space<vmem>>, %arg14: memref<128x128xf32, #tpu.memory_space<vmem>>, %arg15: memref<128x128xf32, #tpu.memory_space<vmem>>, %arg16: memref<2x80xi32, #tpu.memory_space<vmem>>, %arg17: memref<2x80xi32, #tpu.memory_space<vmem>>, %arg18: memref<80x128xf32, #tpu.memory_space<vmem>>, %arg19: memref<80x128xf32, #tpu.memory_space<vmem>>, %arg20: memref<80x128xf32, #tpu.memory_space<vmem>>, %arg21: memref<!tpu.dma_semaphore, #tpu.memory_space<semaphore_mem>>, %arg22: memref<!tpu.dma_semaphore, #tpu.memory_space<semaphore_mem>>, %arg23: memref<!tpu.dma_semaphore, #tpu.memory_space<semaphore_mem>>, %arg24: memref<!tpu.dma_semaphore, #tpu.memory_space<semaphore_mem>>, %arg25: memref<!tpu.dma_semaphore, #tpu.memory_space<semaphore_mem>>, %arg26: memref<!tpu.dma_semaphore, #tpu.memory_space<semaphore_mem>>, %arg27: memref<!tpu.dma_semaphore, #tpu.memory_space<semaphore_mem>>, %arg28: memref<!tpu.dma_semaphore, #tpu.memory_space<semaphore_mem>>, %arg29: memref<!tpu.dma_semaphore, #tpu.memory_space<semaphore_mem>>, %arg30: memref<!tpu.dma_semaphore, #tpu.memory_space<semaphore_mem>>, %arg31: memref<!tpu.dma_semaphore, #tpu.memory_space<semaphore_mem>>) attributes {dimension_semantics = [#tpu.dimension_semantics<core_parallel>, #tpu.dimension_semantics<subcore_parallel>], iteration_bounds = array<i64: 2, 16>, scalar_prefetch = 0 : i64, scratch_operands = 22 : i64, tpu.core_type = #tpu.core_type<sc_vector_subcore>, window_params = [{transform_indices = #map}, {transform_indices = #map1}, {transform_indices = #map1}, {transform_indices = #map1}, {transform_indices = #map1}, {transform_indices = #map}, {transform_indices = #map}, {transform_indices = #map1}]} {
    %mul3A = arith.constant 2 : i32
    %mul3A_0 = arith.muli %arg1, %mul3A : i32
    %add3A = arith.addi %mul3A_0, %arg0 : i32
    %mul3A_1 = arith.constant 6400 : i32
    %mul3A_2 = arith.muli %add3A, %mul3A_1 : i32
    "tpu.region"() ({
      %run_scoped3A = tpu.sem_alloc : memref<!tpu.dma_semaphore, #tpu.memory_space<semaphore_mem>>
      %dma_start3A_269 = arith.constant 0 : i32
      %dma_start3A_270 = arith.constant 0 : i32
      %dma_start3A_271 = tpu.memref_slice %arg2[%add3A, %dma_start3A_269, %dma_start3A_270] : memref<32x50x128xi32, #tpu.memory_space<hbm>> -> memref<1x50x128xi32, #tpu.memory_space<hbm>>
      %dma_start3A_272 = tpu.memref_squeeze %dma_start3A_271 : memref<1x50x128xi32, #tpu.memory_space<hbm>> -> memref<50x128xi32, #tpu.memory_space<hbm>>
      %dma_start3A_273 = arith.constant 0 : i32
      %dma_start3A_274 = arith.constant 0 : i32
      %dma_start3A_275 = tpu.memref_slice %arg2[%add3A, %dma_start3A_273, %dma_start3A_274] : memref<32x50x128xi32, #tpu.memory_space<hbm>> -> memref<1x50x128xi32, #tpu.memory_space<hbm>>
      %dma_start3A_276 = tpu.memref_squeeze %dma_start3A_275 : memref<1x50x128xi32, #tpu.memory_space<hbm>> -> memref<50x128xi32, #tpu.memory_space<hbm>>
      tpu.enqueue_dma source(%dma_start3A_276 : memref<50x128xi32, #tpu.memory_space<hbm>>) target(%arg10 : memref<50x128xi32, #tpu.memory_space<vmem>>) target_semaphore(%run_scoped3A : memref<!tpu.dma_semaphore, #tpu.memory_space<semaphore_mem>>)
      %dma_wait3A_277 = arith.constant 0 : i32
      %dma_wait3A_278 = arith.constant 0 : i32
      %dma_wait3A_279 = tpu.memref_slice %arg2[%add3A, %dma_wait3A_277, %dma_wait3A_278] : memref<32x50x128xi32, #tpu.memory_space<hbm>> -> memref<1x50x128xi32, #tpu.memory_space<hbm>>
      %dma_wait3A_280 = tpu.memref_squeeze %dma_wait3A_279 : memref<1x50x128xi32, #tpu.memory_space<hbm>> -> memref<50x128xi32, #tpu.memory_space<hbm>>
      %dma_wait3A_281 = arith.constant 0 : i32
      %dma_wait3A_282 = arith.constant 0 : i32
      %dma_wait3A_283 = tpu.memref_slice %arg2[%add3A, %dma_wait3A_281, %dma_wait3A_282] : memref<32x50x128xi32, #tpu.memory_space<hbm>> -> memref<1x50x128xi32, #tpu.memory_space<hbm>>
      %dma_wait3A_284 = tpu.memref_squeeze %dma_wait3A_283 : memref<1x50x128xi32, #tpu.memory_space<hbm>> -> memref<50x128xi32, #tpu.memory_space<hbm>>
      tpu.wait_dma2 semaphore(%run_scoped3A : memref<!tpu.dma_semaphore, #tpu.memory_space<semaphore_mem>>) src(%dma_wait3A_284 : memref<50x128xi32, #tpu.memory_space<hbm>>) dst(%arg10 : memref<50x128xi32, #tpu.memory_space<vmem>>)
      tpu.yield
    }) : () -> ()
    %dma_start3A = arith.constant 0 : i32
    %dma_start3A_3 = arith.constant 0 : i32
    %dma_start3A_4 = tpu.memref_slice %arg10[%dma_start3A, %dma_start3A_3] : memref<50x128xi32, #tpu.memory_space<vmem>> -> memref<1x128xi32, #tpu.memory_space<vmem>>
    %dma_start3A_5 = tpu.memref_squeeze %dma_start3A_4 : memref<1x128xi32, #tpu.memory_space<vmem>> -> memref<128xi32, #tpu.memory_space<vmem>>
    %dma_start3A_6 = arith.constant 0 : i32
    %dma_start3A_7 = arith.constant 0 : i32
    %dma_start3A_8 = tpu.memref_slice %arg3[%dma_start3A_6, %dma_start3A_7] : memref<100000x128xf32, #tpu.memory_space<hbm>> -> memref<100000x128xf32, #tpu.memory_space<hbm>>
    tpu.enqueue_indirect_dma source(%dma_start3A_8 : memref<100000x128xf32, #tpu.memory_space<hbm>>) target(%arg11 : memref<128x128xf32, #tpu.memory_space<vmem>>) offsets(%dma_start3A_5 : memref<128xi32, #tpu.memory_space<vmem>>) semaphore(%arg21 : memref<!tpu.dma_semaphore, #tpu.memory_space<semaphore_mem>>)
    %dma_start3A_9 = arith.constant 1 : i32
    %dma_start3A_10 = arith.constant 0 : i32
    %dma_start3A_11 = tpu.memref_slice %arg10[%dma_start3A_9, %dma_start3A_10] : memref<50x128xi32, #tpu.memory_space<vmem>> -> memref<1x128xi32, #tpu.memory_space<vmem>>
    %dma_start3A_12 = tpu.memref_squeeze %dma_start3A_11 : memref<1x128xi32, #tpu.memory_space<vmem>> -> memref<128xi32, #tpu.memory_space<vmem>>
    %dma_start3A_13 = arith.constant 0 : i32
    %dma_start3A_14 = arith.constant 0 : i32
    %dma_start3A_15 = tpu.memref_slice %arg3[%dma_start3A_13, %dma_start3A_14] : memref<100000x128xf32, #tpu.memory_space<hbm>> -> memref<100000x128xf32, #tpu.memory_space<hbm>>
    tpu.enqueue_indirect_dma source(%dma_start3A_15 : memref<100000x128xf32, #tpu.memory_space<hbm>>) target(%arg12 : memref<128x128xf32, #tpu.memory_space<vmem>>) offsets(%dma_start3A_12 : memref<128xi32, #tpu.memory_space<vmem>>) semaphore(%arg22 : memref<!tpu.dma_semaphore, #tpu.memory_space<semaphore_mem>>)
    %dma_start3A_16 = arith.constant 2 : i32
    %dma_start3A_17 = arith.constant 0 : i32
    %dma_start3A_18 = tpu.memref_slice %arg10[%dma_start3A_16, %dma_start3A_17] : memref<50x128xi32, #tpu.memory_space<vmem>> -> memref<1x128xi32, #tpu.memory_space<vmem>>
    %dma_start3A_19 = tpu.memref_squeeze %dma_start3A_18 : memref<1x128xi32, #tpu.memory_space<vmem>> -> memref<128xi32, #tpu.memory_space<vmem>>
    %dma_start3A_20 = arith.constant 0 : i32
    %dma_start3A_21 = arith.constant 0 : i32
    %dma_start3A_22 = tpu.memref_slice %arg3[%dma_start3A_20, %dma_start3A_21] : memref<100000x128xf32, #tpu.memory_space<hbm>> -> memref<100000x128xf32, #tpu.memory_space<hbm>>
    tpu.enqueue_indirect_dma source(%dma_start3A_22 : memref<100000x128xf32, #tpu.memory_space<hbm>>) target(%arg13 : memref<128x128xf32, #tpu.memory_space<vmem>>) offsets(%dma_start3A_19 : memref<128xi32, #tpu.memory_space<vmem>>) semaphore(%arg23 : memref<!tpu.dma_semaphore, #tpu.memory_space<semaphore_mem>>)
    %dma_start3A_23 = arith.constant 3 : i32
    %dma_start3A_24 = arith.constant 0 : i32
    %dma_start3A_25 = tpu.memref_slice %arg10[%dma_start3A_23, %dma_start3A_24] : memref<50x128xi32, #tpu.memory_space<vmem>> -> memref<1x128xi32, #tpu.memory_space<vmem>>
    %dma_start3A_26 = tpu.memref_squeeze %dma_start3A_25 : memref<1x128xi32, #tpu.memory_space<vmem>> -> memref<128xi32, #tpu.memory_space<vmem>>
    %dma_start3A_27 = arith.constant 0 : i32
    %dma_start3A_28 = arith.constant 0 : i32
    %dma_start3A_29 = tpu.memref_slice %arg3[%dma_start3A_27, %dma_start3A_28] : memref<100000x128xf32, #tpu.memory_space<hbm>> -> memref<100000x128xf32, #tpu.memory_space<hbm>>
    tpu.enqueue_indirect_dma source(%dma_start3A_29 : memref<100000x128xf32, #tpu.memory_space<hbm>>) target(%arg14 : memref<128x128xf32, #tpu.memory_space<vmem>>) offsets(%dma_start3A_26 : memref<128xi32, #tpu.memory_space<vmem>>) semaphore(%arg24 : memref<!tpu.dma_semaphore, #tpu.memory_space<semaphore_mem>>)
    %dma_start3A_30 = arith.constant 4 : i32
    %dma_start3A_31 = arith.constant 0 : i32
    %dma_start3A_32 = tpu.memref_slice %arg10[%dma_start3A_30, %dma_start3A_31] : memref<50x128xi32, #tpu.memory_space<vmem>> -> memref<1x128xi32, #tpu.memory_space<vmem>>
    %dma_start3A_33 = tpu.memref_squeeze %dma_start3A_32 : memref<1x128xi32, #tpu.memory_space<vmem>> -> memref<128xi32, #tpu.memory_space<vmem>>
    %dma_start3A_34 = arith.constant 0 : i32
    %dma_start3A_35 = arith.constant 0 : i32
    %dma_start3A_36 = tpu.memref_slice %arg3[%dma_start3A_34, %dma_start3A_35] : memref<100000x128xf32, #tpu.memory_space<hbm>> -> memref<100000x128xf32, #tpu.memory_space<hbm>>
    tpu.enqueue_indirect_dma source(%dma_start3A_36 : memref<100000x128xf32, #tpu.memory_space<hbm>>) target(%arg15 : memref<128x128xf32, #tpu.memory_space<vmem>>) offsets(%dma_start3A_33 : memref<128xi32, #tpu.memory_space<vmem>>) semaphore(%arg25 : memref<!tpu.dma_semaphore, #tpu.memory_space<semaphore_mem>>)
    %scan3A = arith.constant 0 : i32
    %scan3A_37 = arith.constant 0 : i32
    %scan3A_38 = arith.constant 9 : i32
    %scan3A_39 = arith.addi %scan3A_37, %scan3A_38 : i32
    %scan3A_40 = arith.constant 1 : i32
    scf.for %scan3A_269 = %scan3A_37 to %scan3A_39 step %scan3A_40  : i32 {
      %dma_wait3A_270 = arith.constant 0 : i32
      %dma_wait3A_271 = arith.constant 0 : i32
      %dma_wait3A_272 = tpu.memref_slice %arg10[%dma_wait3A_270, %dma_wait3A_271] : memref<50x128xi32, #tpu.memory_space<vmem>> -> memref<1x128xi32, #tpu.memory_space<vmem>>
      %dma_wait3A_273 = tpu.memref_squeeze %dma_wait3A_272 : memref<1x128xi32, #tpu.memory_space<vmem>> -> memref<128xi32, #tpu.memory_space<vmem>>
      %dma_wait3A_274 = arith.constant 0 : i32
      %dma_wait3A_275 = arith.constant 0 : i32
      %dma_wait3A_276 = tpu.memref_slice %arg3[%dma_wait3A_274, %dma_wait3A_275] : memref<100000x128xf32, #tpu.memory_space<hbm>> -> memref<100000x128xf32, #tpu.memory_space<hbm>>
      tpu.wait_indirect_dma semaphore(%arg21 : memref<!tpu.dma_semaphore, #tpu.memory_space<semaphore_mem>>) src(%dma_wait3A_276 : memref<100000x128xf32, #tpu.memory_space<hbm>>) dst(%arg11 : memref<128x128xf32, #tpu.memory_space<vmem>>)
      %mul3A_277 = arith.constant 5 : i32
      %mul3A_278 = arith.muli %scan3A_269, %mul3A_277 : i32
      %add3A_279 = arith.constant 0 : i32
      %add3A_280 = arith.addi %mul3A_278, %add3A_279 : i32
      %mul3A_281 = arith.constant 128 : i32
      %mul3A_282 = arith.muli %add3A_280, %mul3A_281 : i32
      %add3A_283 = arith.addi %mul3A_2, %mul3A_282 : i32
      %multiple_of3A_284 = tpu.assume_multiple %add3A_283, 128 : i32
      %dma_start3A_285 = arith.constant 0 : i32
      %dma_start3A_286 = tpu.memref_slice %arg9[%multiple_of3A_284, %dma_start3A_285] : memref<204800x128xf32, #tpu.memory_space<hbm>> -> memref<128x128xf32, #tpu.memory_space<hbm>>
      %dma_start3A_287 = arith.constant 0 : i32
      %dma_start3A_288 = tpu.memref_slice %arg9[%multiple_of3A_284, %dma_start3A_287] : memref<204800x128xf32, #tpu.memory_space<hbm>> -> memref<128x128xf32, #tpu.memory_space<hbm>>
      tpu.enqueue_dma source(%arg11 : memref<128x128xf32, #tpu.memory_space<vmem>>) target(%dma_start3A_288 : memref<128x128xf32, #tpu.memory_space<hbm>>) target_semaphore(%arg26 : memref<!tpu.dma_semaphore, #tpu.memory_space<semaphore_mem>>)
      %dma_wait3A_289 = arith.constant 0 : i32
      %dma_wait3A_290 = arith.constant 0 : i32
      %dma_wait3A_291 = tpu.memref_slice %arg10[%dma_wait3A_289, %dma_wait3A_290] : memref<50x128xi32, #tpu.memory_space<vmem>> -> memref<1x128xi32, #tpu.memory_space<vmem>>
      %dma_wait3A_292 = tpu.memref_squeeze %dma_wait3A_291 : memref<1x128xi32, #tpu.memory_space<vmem>> -> memref<128xi32, #tpu.memory_space<vmem>>
      %dma_wait3A_293 = arith.constant 0 : i32
      %dma_wait3A_294 = arith.constant 0 : i32
      %dma_wait3A_295 = tpu.memref_slice %arg3[%dma_wait3A_293, %dma_wait3A_294] : memref<100000x128xf32, #tpu.memory_space<hbm>> -> memref<100000x128xf32, #tpu.memory_space<hbm>>
      tpu.wait_indirect_dma semaphore(%arg22 : memref<!tpu.dma_semaphore, #tpu.memory_space<semaphore_mem>>) src(%dma_wait3A_295 : memref<100000x128xf32, #tpu.memory_space<hbm>>) dst(%arg12 : memref<128x128xf32, #tpu.memory_space<vmem>>)
      %mul3A_296 = arith.constant 5 : i32
      %mul3A_297 = arith.muli %scan3A_269, %mul3A_296 : i32
      %add3A_298 = arith.constant 1 : i32
      %add3A_299 = arith.addi %mul3A_297, %add3A_298 : i32
      %mul3A_300 = arith.constant 128 : i32
      %mul3A_301 = arith.muli %add3A_299, %mul3A_300 : i32
      %add3A_302 = arith.addi %mul3A_2, %mul3A_301 : i32
      %multiple_of3A_303 = tpu.assume_multiple %add3A_302, 128 : i32
      %dma_start3A_304 = arith.constant 0 : i32
      %dma_start3A_305 = tpu.memref_slice %arg9[%multiple_of3A_303, %dma_start3A_304] : memref<204800x128xf32, #tpu.memory_space<hbm>> -> memref<128x128xf32, #tpu.memory_space<hbm>>
      %dma_start3A_306 = arith.constant 0 : i32
      %dma_start3A_307 = tpu.memref_slice %arg9[%multiple_of3A_303, %dma_start3A_306] : memref<204800x128xf32, #tpu.memory_space<hbm>> -> memref<128x128xf32, #tpu.memory_space<hbm>>
      tpu.enqueue_dma source(%arg12 : memref<128x128xf32, #tpu.memory_space<vmem>>) target(%dma_start3A_307 : memref<128x128xf32, #tpu.memory_space<hbm>>) target_semaphore(%arg27 : memref<!tpu.dma_semaphore, #tpu.memory_space<semaphore_mem>>)
      %dma_wait3A_308 = arith.constant 0 : i32
      %dma_wait3A_309 = arith.constant 0 : i32
      %dma_wait3A_310 = tpu.memref_slice %arg10[%dma_wait3A_308, %dma_wait3A_309] : memref<50x128xi32, #tpu.memory_space<vmem>> -> memref<1x128xi32, #tpu.memory_space<vmem>>
      %dma_wait3A_311 = tpu.memref_squeeze %dma_wait3A_310 : memref<1x128xi32, #tpu.memory_space<vmem>> -> memref<128xi32, #tpu.memory_space<vmem>>
      %dma_wait3A_312 = arith.constant 0 : i32
      %dma_wait3A_313 = arith.constant 0 : i32
      %dma_wait3A_314 = tpu.memref_slice %arg3[%dma_wait3A_312, %dma_wait3A_313] : memref<100000x128xf32, #tpu.memory_space<hbm>> -> memref<100000x128xf32, #tpu.memory_space<hbm>>
      tpu.wait_indirect_dma semaphore(%arg23 : memref<!tpu.dma_semaphore, #tpu.memory_space<semaphore_mem>>) src(%dma_wait3A_314 : memref<100000x128xf32, #tpu.memory_space<hbm>>) dst(%arg13 : memref<128x128xf32, #tpu.memory_space<vmem>>)
      %mul3A_315 = arith.constant 5 : i32
      %mul3A_316 = arith.muli %scan3A_269, %mul3A_315 : i32
      %add3A_317 = arith.constant 2 : i32
      %add3A_318 = arith.addi %mul3A_316, %add3A_317 : i32
      %mul3A_319 = arith.constant 128 : i32
      %mul3A_320 = arith.muli %add3A_318, %mul3A_319 : i32
      %add3A_321 = arith.addi %mul3A_2, %mul3A_320 : i32
      %multiple_of3A_322 = tpu.assume_multiple %add3A_321, 128 : i32
      %dma_start3A_323 = arith.constant 0 : i32
      %dma_start3A_324 = tpu.memref_slice %arg9[%multiple_of3A_322, %dma_start3A_323] : memref<204800x128xf32, #tpu.memory_space<hbm>> -> memref<128x128xf32, #tpu.memory_space<hbm>>
      %dma_start3A_325 = arith.constant 0 : i32
      %dma_start3A_326 = tpu.memref_slice %arg9[%multiple_of3A_322, %dma_start3A_325] : memref<204800x128xf32, #tpu.memory_space<hbm>> -> memref<128x128xf32, #tpu.memory_space<hbm>>
      tpu.enqueue_dma source(%arg13 : memref<128x128xf32, #tpu.memory_space<vmem>>) target(%dma_start3A_326 : memref<128x128xf32, #tpu.memory_space<hbm>>) target_semaphore(%arg28 : memref<!tpu.dma_semaphore, #tpu.memory_space<semaphore_mem>>)
      %dma_wait3A_327 = arith.constant 0 : i32
      %dma_wait3A_328 = arith.constant 0 : i32
      %dma_wait3A_329 = tpu.memref_slice %arg10[%dma_wait3A_327, %dma_wait3A_328] : memref<50x128xi32, #tpu.memory_space<vmem>> -> memref<1x128xi32, #tpu.memory_space<vmem>>
      %dma_wait3A_330 = tpu.memref_squeeze %dma_wait3A_329 : memref<1x128xi32, #tpu.memory_space<vmem>> -> memref<128xi32, #tpu.memory_space<vmem>>
      %dma_wait3A_331 = arith.constant 0 : i32
      %dma_wait3A_332 = arith.constant 0 : i32
      %dma_wait3A_333 = tpu.memref_slice %arg3[%dma_wait3A_331, %dma_wait3A_332] : memref<100000x128xf32, #tpu.memory_space<hbm>> -> memref<100000x128xf32, #tpu.memory_space<hbm>>
      tpu.wait_indirect_dma semaphore(%arg24 : memref<!tpu.dma_semaphore, #tpu.memory_space<semaphore_mem>>) src(%dma_wait3A_333 : memref<100000x128xf32, #tpu.memory_space<hbm>>) dst(%arg14 : memref<128x128xf32, #tpu.memory_space<vmem>>)
      %mul3A_334 = arith.constant 5 : i32
      %mul3A_335 = arith.muli %scan3A_269, %mul3A_334 : i32
      %add3A_336 = arith.constant 3 : i32
      %add3A_337 = arith.addi %mul3A_335, %add3A_336 : i32
      %mul3A_338 = arith.constant 128 : i32
      %mul3A_339 = arith.muli %add3A_337, %mul3A_338 : i32
      %add3A_340 = arith.addi %mul3A_2, %mul3A_339 : i32
      %multiple_of3A_341 = tpu.assume_multiple %add3A_340, 128 : i32
      %dma_start3A_342 = arith.constant 0 : i32
      %dma_start3A_343 = tpu.memref_slice %arg9[%multiple_of3A_341, %dma_start3A_342] : memref<204800x128xf32, #tpu.memory_space<hbm>> -> memref<128x128xf32, #tpu.memory_space<hbm>>
      %dma_start3A_344 = arith.constant 0 : i32
      %dma_start3A_345 = tpu.memref_slice %arg9[%multiple_of3A_341, %dma_start3A_344] : memref<204800x128xf32, #tpu.memory_space<hbm>> -> memref<128x128xf32, #tpu.memory_space<hbm>>
      tpu.enqueue_dma source(%arg14 : memref<128x128xf32, #tpu.memory_space<vmem>>) target(%dma_start3A_345 : memref<128x128xf32, #tpu.memory_space<hbm>>) target_semaphore(%arg29 : memref<!tpu.dma_semaphore, #tpu.memory_space<semaphore_mem>>)
      %dma_wait3A_346 = arith.constant 0 : i32
      %dma_wait3A_347 = arith.constant 0 : i32
      %dma_wait3A_348 = tpu.memref_slice %arg10[%dma_wait3A_346, %dma_wait3A_347] : memref<50x128xi32, #tpu.memory_space<vmem>> -> memref<1x128xi32, #tpu.memory_space<vmem>>
      %dma_wait3A_349 = tpu.memref_squeeze %dma_wait3A_348 : memref<1x128xi32, #tpu.memory_space<vmem>> -> memref<128xi32, #tpu.memory_space<vmem>>
      %dma_wait3A_350 = arith.constant 0 : i32
      %dma_wait3A_351 = arith.constant 0 : i32
      %dma_wait3A_352 = tpu.memref_slice %arg3[%dma_wait3A_350, %dma_wait3A_351] : memref<100000x128xf32, #tpu.memory_space<hbm>> -> memref<100000x128xf32, #tpu.memory_space<hbm>>
      tpu.wait_indirect_dma semaphore(%arg25 : memref<!tpu.dma_semaphore, #tpu.memory_space<semaphore_mem>>) src(%dma_wait3A_352 : memref<100000x128xf32, #tpu.memory_space<hbm>>) dst(%arg15 : memref<128x128xf32, #tpu.memory_space<vmem>>)
      %mul3A_353 = arith.constant 5 : i32
      %mul3A_354 = arith.muli %scan3A_269, %mul3A_353 : i32
      %add3A_355 = arith.constant 4 : i32
      %add3A_356 = arith.addi %mul3A_354, %add3A_355 : i32
      %mul3A_357 = arith.constant 128 : i32
      %mul3A_358 = arith.muli %add3A_356, %mul3A_357 : i32
      %add3A_359 = arith.addi %mul3A_2, %mul3A_358 : i32
      %multiple_of3A_360 = tpu.assume_multiple %add3A_359, 128 : i32
      %dma_start3A_361 = arith.constant 0 : i32
      %dma_start3A_362 = tpu.memref_slice %arg9[%multiple_of3A_360, %dma_start3A_361] : memref<204800x128xf32, #tpu.memory_space<hbm>> -> memref<128x128xf32, #tpu.memory_space<hbm>>
      %dma_start3A_363 = arith.constant 0 : i32
      %dma_start3A_364 = tpu.memref_slice %arg9[%multiple_of3A_360, %dma_start3A_363] : memref<204800x128xf32, #tpu.memory_space<hbm>> -> memref<128x128xf32, #tpu.memory_space<hbm>>
      tpu.enqueue_dma source(%arg15 : memref<128x128xf32, #tpu.memory_space<vmem>>) target(%dma_start3A_364 : memref<128x128xf32, #tpu.memory_space<hbm>>) target_semaphore(%arg30 : memref<!tpu.dma_semaphore, #tpu.memory_space<semaphore_mem>>)
      %add3A_365 = arith.constant 0 : i32
      %add3A_366 = arith.addi %mul3A_2, %add3A_365 : i32
      %multiple_of3A_367 = tpu.assume_multiple %add3A_366, 128 : i32
      %dma_wait3A_368 = arith.constant 0 : i32
      %dma_wait3A_369 = tpu.memref_slice %arg9[%multiple_of3A_367, %dma_wait3A_368] : memref<204800x128xf32, #tpu.memory_space<hbm>> -> memref<128x128xf32, #tpu.memory_space<hbm>>
      %dma_wait3A_370 = arith.constant 0 : i32
      %dma_wait3A_371 = tpu.memref_slice %arg9[%multiple_of3A_367, %dma_wait3A_370] : memref<204800x128xf32, #tpu.memory_space<hbm>> -> memref<128x128xf32, #tpu.memory_space<hbm>>
      tpu.wait_dma2 semaphore(%arg26 : memref<!tpu.dma_semaphore, #tpu.memory_space<semaphore_mem>>) src(%arg11 : memref<128x128xf32, #tpu.memory_space<vmem>>) dst(%dma_wait3A_371 : memref<128x128xf32, #tpu.memory_space<hbm>>)
      %mul3A_372 = arith.constant 5 : i32
      %mul3A_373 = arith.muli %scan3A_269, %mul3A_372 : i32
      %add3A_374 = arith.constant 0 : i32
      %add3A_375 = arith.addi %mul3A_373, %add3A_374 : i32
      %add3A_376 = arith.constant 5 : i32
      %add3A_377 = arith.addi %add3A_375, %add3A_376 : i32
      %dma_start3A_378 = arith.constant 0 : i32
      %dma_start3A_379 = tpu.memref_slice %arg10[%add3A_377, %dma_start3A_378] : memref<50x128xi32, #tpu.memory_space<vmem>> -> memref<1x128xi32, #tpu.memory_space<vmem>>
      %dma_start3A_380 = tpu.memref_squeeze %dma_start3A_379 : memref<1x128xi32, #tpu.memory_space<vmem>> -> memref<128xi32, #tpu.memory_space<vmem>>
      %dma_start3A_381 = arith.constant 0 : i32
      %dma_start3A_382 = arith.constant 0 : i32
      %dma_start3A_383 = tpu.memref_slice %arg3[%dma_start3A_381, %dma_start3A_382] : memref<100000x128xf32, #tpu.memory_space<hbm>> -> memref<100000x128xf32, #tpu.memory_space<hbm>>
      tpu.enqueue_indirect_dma source(%dma_start3A_383 : memref<100000x128xf32, #tpu.memory_space<hbm>>) target(%arg11 : memref<128x128xf32, #tpu.memory_space<vmem>>) offsets(%dma_start3A_380 : memref<128xi32, #tpu.memory_space<vmem>>) semaphore(%arg21 : memref<!tpu.dma_semaphore, #tpu.memory_space<semaphore_mem>>)
      %add3A_384 = arith.constant 0 : i32
      %add3A_385 = arith.addi %mul3A_2, %add3A_384 : i32
      %multiple_of3A_386 = tpu.assume_multiple %add3A_385, 128 : i32
      %dma_wait3A_387 = arith.constant 0 : i32
      %dma_wait3A_388 = tpu.memref_slice %arg9[%multiple_of3A_386, %dma_wait3A_387] : memref<204800x128xf32, #tpu.memory_space<hbm>> -> memref<128x128xf32, #tpu.memory_space<hbm>>
      %dma_wait3A_389 = arith.constant 0 : i32
      %dma_wait3A_390 = tpu.memref_slice %arg9[%multiple_of3A_386, %dma_wait3A_389] : memref<204800x128xf32, #tpu.memory_space<hbm>> -> memref<128x128xf32, #tpu.memory_space<hbm>>
      tpu.wait_dma2 semaphore(%arg27 : memref<!tpu.dma_semaphore, #tpu.memory_space<semaphore_mem>>) src(%arg12 : memref<128x128xf32, #tpu.memory_space<vmem>>) dst(%dma_wait3A_390 : memref<128x128xf32, #tpu.memory_space<hbm>>)
      %mul3A_391 = arith.constant 5 : i32
      %mul3A_392 = arith.muli %scan3A_269, %mul3A_391 : i32
      %add3A_393 = arith.constant 1 : i32
      %add3A_394 = arith.addi %mul3A_392, %add3A_393 : i32
      %add3A_395 = arith.constant 5 : i32
      %add3A_396 = arith.addi %add3A_394, %add3A_395 : i32
      %dma_start3A_397 = arith.constant 0 : i32
      %dma_start3A_398 = tpu.memref_slice %arg10[%add3A_396, %dma_start3A_397] : memref<50x128xi32, #tpu.memory_space<vmem>> -> memref<1x128xi32, #tpu.memory_space<vmem>>
      %dma_start3A_399 = tpu.memref_squeeze %dma_start3A_398 : memref<1x128xi32, #tpu.memory_space<vmem>> -> memref<128xi32, #tpu.memory_space<vmem>>
      %dma_start3A_400 = arith.constant 0 : i32
      %dma_start3A_401 = arith.constant 0 : i32
      %dma_start3A_402 = tpu.memref_slice %arg3[%dma_start3A_400, %dma_start3A_401] : memref<100000x128xf32, #tpu.memory_space<hbm>> -> memref<100000x128xf32, #tpu.memory_space<hbm>>
      tpu.enqueue_indirect_dma source(%dma_start3A_402 : memref<100000x128xf32, #tpu.memory_space<hbm>>) target(%arg12 : memref<128x128xf32, #tpu.memory_space<vmem>>) offsets(%dma_start3A_399 : memref<128xi32, #tpu.memory_space<vmem>>) semaphore(%arg22 : memref<!tpu.dma_semaphore, #tpu.memory_space<semaphore_mem>>)
      %add3A_403 = arith.constant 0 : i32
      %add3A_404 = arith.addi %mul3A_2, %add3A_403 : i32
      %multiple_of3A_405 = tpu.assume_multiple %add3A_404, 128 : i32
      %dma_wait3A_406 = arith.constant 0 : i32
      %dma_wait3A_407 = tpu.memref_slice %arg9[%multiple_of3A_405, %dma_wait3A_406] : memref<204800x128xf32, #tpu.memory_space<hbm>> -> memref<128x128xf32, #tpu.memory_space<hbm>>
      %dma_wait3A_408 = arith.constant 0 : i32
      %dma_wait3A_409 = tpu.memref_slice %arg9[%multiple_of3A_405, %dma_wait3A_408] : memref<204800x128xf32, #tpu.memory_space<hbm>> -> memref<128x128xf32, #tpu.memory_space<hbm>>
      tpu.wait_dma2 semaphore(%arg28 : memref<!tpu.dma_semaphore, #tpu.memory_space<semaphore_mem>>) src(%arg13 : memref<128x128xf32, #tpu.memory_space<vmem>>) dst(%dma_wait3A_409 : memref<128x128xf32, #tpu.memory_space<hbm>>)
      %mul3A_410 = arith.constant 5 : i32
      %mul3A_411 = arith.muli %scan3A_269, %mul3A_410 : i32
      %add3A_412 = arith.constant 2 : i32
      %add3A_413 = arith.addi %mul3A_411, %add3A_412 : i32
      %add3A_414 = arith.constant 5 : i32
      %add3A_415 = arith.addi %add3A_413, %add3A_414 : i32
      %dma_start3A_416 = arith.constant 0 : i32
      %dma_start3A_417 = tpu.memref_slice %arg10[%add3A_415, %dma_start3A_416] : memref<50x128xi32, #tpu.memory_space<vmem>> -> memref<1x128xi32, #tpu.memory_space<vmem>>
      %dma_start3A_418 = tpu.memref_squeeze %dma_start3A_417 : memref<1x128xi32, #tpu.memory_space<vmem>> -> memref<128xi32, #tpu.memory_space<vmem>>
      %dma_start3A_419 = arith.constant 0 : i32
      %dma_start3A_420 = arith.constant 0 : i32
      %dma_start3A_421 = tpu.memref_slice %arg3[%dma_start3A_419, %dma_start3A_420] : memref<100000x128xf32, #tpu.memory_space<hbm>> -> memref<100000x128xf32, #tpu.memory_space<hbm>>
      tpu.enqueue_indirect_dma source(%dma_start3A_421 : memref<100000x128xf32, #tpu.memory_space<hbm>>) target(%arg13 : memref<128x128xf32, #tpu.memory_space<vmem>>) offsets(%dma_start3A_418 : memref<128xi32, #tpu.memory_space<vmem>>) semaphore(%arg23 : memref<!tpu.dma_semaphore, #tpu.memory_space<semaphore_mem>>)
      %add3A_422 = arith.constant 0 : i32
      %add3A_423 = arith.addi %mul3A_2, %add3A_422 : i32
      %multiple_of3A_424 = tpu.assume_multiple %add3A_423, 128 : i32
      %dma_wait3A_425 = arith.constant 0 : i32
      %dma_wait3A_426 = tpu.memref_slice %arg9[%multiple_of3A_424, %dma_wait3A_425] : memref<204800x128xf32, #tpu.memory_space<hbm>> -> memref<128x128xf32, #tpu.memory_space<hbm>>
      %dma_wait3A_427 = arith.constant 0 : i32
      %dma_wait3A_428 = tpu.memref_slice %arg9[%multiple_of3A_424, %dma_wait3A_427] : memref<204800x128xf32, #tpu.memory_space<hbm>> -> memref<128x128xf32, #tpu.memory_space<hbm>>
      tpu.wait_dma2 semaphore(%arg29 : memref<!tpu.dma_semaphore, #tpu.memory_space<semaphore_mem>>) src(%arg14 : memref<128x128xf32, #tpu.memory_space<vmem>>) dst(%dma_wait3A_428 : memref<128x128xf32, #tpu.memory_space<hbm>>)
      %mul3A_429 = arith.constant 5 : i32
      %mul3A_430 = arith.muli %scan3A_269, %mul3A_429 : i32
      %add3A_431 = arith.constant 3 : i32
      %add3A_432 = arith.addi %mul3A_430, %add3A_431 : i32
      %add3A_433 = arith.constant 5 : i32
      %add3A_434 = arith.addi %add3A_432, %add3A_433 : i32
      %dma_start3A_435 = arith.constant 0 : i32
      %dma_start3A_436 = tpu.memref_slice %arg10[%add3A_434, %dma_start3A_435] : memref<50x128xi32, #tpu.memory_space<vmem>> -> memref<1x128xi32, #tpu.memory_space<vmem>>
      %dma_start3A_437 = tpu.memref_squeeze %dma_start3A_436 : memref<1x128xi32, #tpu.memory_space<vmem>> -> memref<128xi32, #tpu.memory_space<vmem>>
      %dma_start3A_438 = arith.constant 0 : i32
      %dma_start3A_439 = arith.constant 0 : i32
      %dma_start3A_440 = tpu.memref_slice %arg3[%dma_start3A_438, %dma_start3A_439] : memref<100000x128xf32, #tpu.memory_space<hbm>> -> memref<100000x128xf32, #tpu.memory_space<hbm>>
      tpu.enqueue_indirect_dma source(%dma_start3A_440 : memref<100000x128xf32, #tpu.memory_space<hbm>>) target(%arg14 : memref<128x128xf32, #tpu.memory_space<vmem>>) offsets(%dma_start3A_437 : memref<128xi32, #tpu.memory_space<vmem>>) semaphore(%arg24 : memref<!tpu.dma_semaphore, #tpu.memory_space<semaphore_mem>>)
      %add3A_441 = arith.constant 0 : i32
      %add3A_442 = arith.addi %mul3A_2, %add3A_441 : i32
      %multiple_of3A_443 = tpu.assume_multiple %add3A_442, 128 : i32
      %dma_wait3A_444 = arith.constant 0 : i32
      %dma_wait3A_445 = tpu.memref_slice %arg9[%multiple_of3A_443, %dma_wait3A_444] : memref<204800x128xf32, #tpu.memory_space<hbm>> -> memref<128x128xf32, #tpu.memory_space<hbm>>
      %dma_wait3A_446 = arith.constant 0 : i32
      %dma_wait3A_447 = tpu.memref_slice %arg9[%multiple_of3A_443, %dma_wait3A_446] : memref<204800x128xf32, #tpu.memory_space<hbm>> -> memref<128x128xf32, #tpu.memory_space<hbm>>
      tpu.wait_dma2 semaphore(%arg30 : memref<!tpu.dma_semaphore, #tpu.memory_space<semaphore_mem>>) src(%arg15 : memref<128x128xf32, #tpu.memory_space<vmem>>) dst(%dma_wait3A_447 : memref<128x128xf32, #tpu.memory_space<hbm>>)
      %mul3A_448 = arith.constant 5 : i32
      %mul3A_449 = arith.muli %scan3A_269, %mul3A_448 : i32
      %add3A_450 = arith.constant 4 : i32
      %add3A_451 = arith.addi %mul3A_449, %add3A_450 : i32
      %add3A_452 = arith.constant 5 : i32
      %add3A_453 = arith.addi %add3A_451, %add3A_452 : i32
      %dma_start3A_454 = arith.constant 0 : i32
      %dma_start3A_455 = tpu.memref_slice %arg10[%add3A_453, %dma_start3A_454] : memref<50x128xi32, #tpu.memory_space<vmem>> -> memref<1x128xi32, #tpu.memory_space<vmem>>
      %dma_start3A_456 = tpu.memref_squeeze %dma_start3A_455 : memref<1x128xi32, #tpu.memory_space<vmem>> -> memref<128xi32, #tpu.memory_space<vmem>>
      %dma_start3A_457 = arith.constant 0 : i32
      %dma_start3A_458 = arith.constant 0 : i32
      %dma_start3A_459 = tpu.memref_slice %arg3[%dma_start3A_457, %dma_start3A_458] : memref<100000x128xf32, #tpu.memory_space<hbm>> -> memref<100000x128xf32, #tpu.memory_space<hbm>>
      tpu.enqueue_indirect_dma source(%dma_start3A_459 : memref<100000x128xf32, #tpu.memory_space<hbm>>) target(%arg15 : memref<128x128xf32, #tpu.memory_space<vmem>>) offsets(%dma_start3A_456 : memref<128xi32, #tpu.memory_space<vmem>>) semaphore(%arg25 : memref<!tpu.dma_semaphore, #tpu.memory_space<semaphore_mem>>)
    }
    %scan3A_41 = arith.constant 9 : i32
    %dma_wait3A = arith.constant 0 : i32
    %dma_wait3A_42 = arith.constant 0 : i32
    %dma_wait3A_43 = tpu.memref_slice %arg10[%dma_wait3A, %dma_wait3A_42] : memref<50x128xi32, #tpu.memory_space<vmem>> -> memref<1x128xi32, #tpu.memory_space<vmem>>
    %dma_wait3A_44 = tpu.memref_squeeze %dma_wait3A_43 : memref<1x128xi32, #tpu.memory_space<vmem>> -> memref<128xi32, #tpu.memory_space<vmem>>
    %dma_wait3A_45 = arith.constant 0 : i32
    %dma_wait3A_46 = arith.constant 0 : i32
    %dma_wait3A_47 = tpu.memref_slice %arg3[%dma_wait3A_45, %dma_wait3A_46] : memref<100000x128xf32, #tpu.memory_space<hbm>> -> memref<100000x128xf32, #tpu.memory_space<hbm>>
    tpu.wait_indirect_dma semaphore(%arg21 : memref<!tpu.dma_semaphore, #tpu.memory_space<semaphore_mem>>) src(%dma_wait3A_47 : memref<100000x128xf32, #tpu.memory_space<hbm>>) dst(%arg11 : memref<128x128xf32, #tpu.memory_space<vmem>>)
    %add3A_48 = arith.constant 5760 : i32
    %add3A_49 = arith.addi %mul3A_2, %add3A_48 : i32
    %multiple_of3A = tpu.assume_multiple %add3A_49, 128 : i32
    %dma_start3A_50 = arith.constant 0 : i32
    %dma_start3A_51 = tpu.memref_slice %arg9[%multiple_of3A, %dma_start3A_50] : memref<204800x128xf32, #tpu.memory_space<hbm>> -> memref<128x128xf32, #tpu.memory_space<hbm>>
    %dma_start3A_52 = arith.constant 0 : i32
    %dma_start3A_53 = tpu.memref_slice %arg9[%multiple_of3A, %dma_start3A_52] : memref<204800x128xf32, #tpu.memory_space<hbm>> -> memref<128x128xf32, #tpu.memory_space<hbm>>
    tpu.enqueue_dma source(%arg11 : memref<128x128xf32, #tpu.memory_space<vmem>>) target(%dma_start3A_53 : memref<128x128xf32, #tpu.memory_space<hbm>>) target_semaphore(%arg26 : memref<!tpu.dma_semaphore, #tpu.memory_space<semaphore_mem>>)
    %dma_wait3A_54 = arith.constant 0 : i32
    %dma_wait3A_55 = arith.constant 0 : i32
    %dma_wait3A_56 = tpu.memref_slice %arg10[%dma_wait3A_54, %dma_wait3A_55] : memref<50x128xi32, #tpu.memory_space<vmem>> -> memref<1x128xi32, #tpu.memory_space<vmem>>
    %dma_wait3A_57 = tpu.memref_squeeze %dma_wait3A_56 : memref<1x128xi32, #tpu.memory_space<vmem>> -> memref<128xi32, #tpu.memory_space<vmem>>
    %dma_wait3A_58 = arith.constant 0 : i32
    %dma_wait3A_59 = arith.constant 0 : i32
    %dma_wait3A_60 = tpu.memref_slice %arg3[%dma_wait3A_58, %dma_wait3A_59] : memref<100000x128xf32, #tpu.memory_space<hbm>> -> memref<100000x128xf32, #tpu.memory_space<hbm>>
    tpu.wait_indirect_dma semaphore(%arg22 : memref<!tpu.dma_semaphore, #tpu.memory_space<semaphore_mem>>) src(%dma_wait3A_60 : memref<100000x128xf32, #tpu.memory_space<hbm>>) dst(%arg12 : memref<128x128xf32, #tpu.memory_space<vmem>>)
    %add3A_61 = arith.constant 5888 : i32
    %add3A_62 = arith.addi %mul3A_2, %add3A_61 : i32
    %multiple_of3A_63 = tpu.assume_multiple %add3A_62, 128 : i32
    %dma_start3A_64 = arith.constant 0 : i32
    %dma_start3A_65 = tpu.memref_slice %arg9[%multiple_of3A_63, %dma_start3A_64] : memref<204800x128xf32, #tpu.memory_space<hbm>> -> memref<128x128xf32, #tpu.memory_space<hbm>>
    %dma_start3A_66 = arith.constant 0 : i32
    %dma_start3A_67 = tpu.memref_slice %arg9[%multiple_of3A_63, %dma_start3A_66] : memref<204800x128xf32, #tpu.memory_space<hbm>> -> memref<128x128xf32, #tpu.memory_space<hbm>>
    tpu.enqueue_dma source(%arg12 : memref<128x128xf32, #tpu.memory_space<vmem>>) target(%dma_start3A_67 : memref<128x128xf32, #tpu.memory_space<hbm>>) target_semaphore(%arg27 : memref<!tpu.dma_semaphore, #tpu.memory_space<semaphore_mem>>)
    %dma_wait3A_68 = arith.constant 0 : i32
    %dma_wait3A_69 = arith.constant 0 : i32
    %dma_wait3A_70 = tpu.memref_slice %arg10[%dma_wait3A_68, %dma_wait3A_69] : memref<50x128xi32, #tpu.memory_space<vmem>> -> memref<1x128xi32, #tpu.memory_space<vmem>>
    %dma_wait3A_71 = tpu.memref_squeeze %dma_wait3A_70 : memref<1x128xi32, #tpu.memory_space<vmem>> -> memref<128xi32, #tpu.memory_space<vmem>>
    %dma_wait3A_72 = arith.constant 0 : i32
    %dma_wait3A_73 = arith.constant 0 : i32
    %dma_wait3A_74 = tpu.memref_slice %arg3[%dma_wait3A_72, %dma_wait3A_73] : memref<100000x128xf32, #tpu.memory_space<hbm>> -> memref<100000x128xf32, #tpu.memory_space<hbm>>
    tpu.wait_indirect_dma semaphore(%arg23 : memref<!tpu.dma_semaphore, #tpu.memory_space<semaphore_mem>>) src(%dma_wait3A_74 : memref<100000x128xf32, #tpu.memory_space<hbm>>) dst(%arg13 : memref<128x128xf32, #tpu.memory_space<vmem>>)
    %add3A_75 = arith.constant 6016 : i32
    %add3A_76 = arith.addi %mul3A_2, %add3A_75 : i32
    %multiple_of3A_77 = tpu.assume_multiple %add3A_76, 128 : i32
    %dma_start3A_78 = arith.constant 0 : i32
    %dma_start3A_79 = tpu.memref_slice %arg9[%multiple_of3A_77, %dma_start3A_78] : memref<204800x128xf32, #tpu.memory_space<hbm>> -> memref<128x128xf32, #tpu.memory_space<hbm>>
    %dma_start3A_80 = arith.constant 0 : i32
    %dma_start3A_81 = tpu.memref_slice %arg9[%multiple_of3A_77, %dma_start3A_80] : memref<204800x128xf32, #tpu.memory_space<hbm>> -> memref<128x128xf32, #tpu.memory_space<hbm>>
    tpu.enqueue_dma source(%arg13 : memref<128x128xf32, #tpu.memory_space<vmem>>) target(%dma_start3A_81 : memref<128x128xf32, #tpu.memory_space<hbm>>) target_semaphore(%arg28 : memref<!tpu.dma_semaphore, #tpu.memory_space<semaphore_mem>>)
    %dma_wait3A_82 = arith.constant 0 : i32
    %dma_wait3A_83 = arith.constant 0 : i32
    %dma_wait3A_84 = tpu.memref_slice %arg10[%dma_wait3A_82, %dma_wait3A_83] : memref<50x128xi32, #tpu.memory_space<vmem>> -> memref<1x128xi32, #tpu.memory_space<vmem>>
    %dma_wait3A_85 = tpu.memref_squeeze %dma_wait3A_84 : memref<1x128xi32, #tpu.memory_space<vmem>> -> memref<128xi32, #tpu.memory_space<vmem>>
    %dma_wait3A_86 = arith.constant 0 : i32
    %dma_wait3A_87 = arith.constant 0 : i32
    %dma_wait3A_88 = tpu.memref_slice %arg3[%dma_wait3A_86, %dma_wait3A_87] : memref<100000x128xf32, #tpu.memory_space<hbm>> -> memref<100000x128xf32, #tpu.memory_space<hbm>>
    tpu.wait_indirect_dma semaphore(%arg24 : memref<!tpu.dma_semaphore, #tpu.memory_space<semaphore_mem>>) src(%dma_wait3A_88 : memref<100000x128xf32, #tpu.memory_space<hbm>>) dst(%arg14 : memref<128x128xf32, #tpu.memory_space<vmem>>)
    %add3A_89 = arith.constant 6144 : i32
    %add3A_90 = arith.addi %mul3A_2, %add3A_89 : i32
    %multiple_of3A_91 = tpu.assume_multiple %add3A_90, 128 : i32
    %dma_start3A_92 = arith.constant 0 : i32
    %dma_start3A_93 = tpu.memref_slice %arg9[%multiple_of3A_91, %dma_start3A_92] : memref<204800x128xf32, #tpu.memory_space<hbm>> -> memref<128x128xf32, #tpu.memory_space<hbm>>
    %dma_start3A_94 = arith.constant 0 : i32
    %dma_start3A_95 = tpu.memref_slice %arg9[%multiple_of3A_91, %dma_start3A_94] : memref<204800x128xf32, #tpu.memory_space<hbm>> -> memref<128x128xf32, #tpu.memory_space<hbm>>
    tpu.enqueue_dma source(%arg14 : memref<128x128xf32, #tpu.memory_space<vmem>>) target(%dma_start3A_95 : memref<128x128xf32, #tpu.memory_space<hbm>>) target_semaphore(%arg29 : memref<!tpu.dma_semaphore, #tpu.memory_space<semaphore_mem>>)
    %dma_wait3A_96 = arith.constant 0 : i32
    %dma_wait3A_97 = arith.constant 0 : i32
    %dma_wait3A_98 = tpu.memref_slice %arg10[%dma_wait3A_96, %dma_wait3A_97] : memref<50x128xi32, #tpu.memory_space<vmem>> -> memref<1x128xi32, #tpu.memory_space<vmem>>
    %dma_wait3A_99 = tpu.memref_squeeze %dma_wait3A_98 : memref<1x128xi32, #tpu.memory_space<vmem>> -> memref<128xi32, #tpu.memory_space<vmem>>
    %dma_wait3A_100 = arith.constant 0 : i32
    %dma_wait3A_101 = arith.constant 0 : i32
    %dma_wait3A_102 = tpu.memref_slice %arg3[%dma_wait3A_100, %dma_wait3A_101] : memref<100000x128xf32, #tpu.memory_space<hbm>> -> memref<100000x128xf32, #tpu.memory_space<hbm>>
    tpu.wait_indirect_dma semaphore(%arg25 : memref<!tpu.dma_semaphore, #tpu.memory_space<semaphore_mem>>) src(%dma_wait3A_102 : memref<100000x128xf32, #tpu.memory_space<hbm>>) dst(%arg15 : memref<128x128xf32, #tpu.memory_space<vmem>>)
    %add3A_103 = arith.constant 6272 : i32
    %add3A_104 = arith.addi %mul3A_2, %add3A_103 : i32
    %multiple_of3A_105 = tpu.assume_multiple %add3A_104, 128 : i32
    %dma_start3A_106 = arith.constant 0 : i32
    %dma_start3A_107 = tpu.memref_slice %arg9[%multiple_of3A_105, %dma_start3A_106] : memref<204800x128xf32, #tpu.memory_space<hbm>> -> memref<128x128xf32, #tpu.memory_space<hbm>>
    %dma_start3A_108 = arith.constant 0 : i32
    %dma_start3A_109 = tpu.memref_slice %arg9[%multiple_of3A_105, %dma_start3A_108] : memref<204800x128xf32, #tpu.memory_space<hbm>> -> memref<128x128xf32, #tpu.memory_space<hbm>>
    tpu.enqueue_dma source(%arg15 : memref<128x128xf32, #tpu.memory_space<vmem>>) target(%dma_start3A_109 : memref<128x128xf32, #tpu.memory_space<hbm>>) target_semaphore(%arg30 : memref<!tpu.dma_semaphore, #tpu.memory_space<semaphore_mem>>)
    %add3A_110 = arith.constant 0 : i32
    %add3A_111 = arith.addi %mul3A_2, %add3A_110 : i32
    %multiple_of3A_112 = tpu.assume_multiple %add3A_111, 128 : i32
    %dma_wait3A_113 = arith.constant 0 : i32
    %dma_wait3A_114 = tpu.memref_slice %arg9[%multiple_of3A_112, %dma_wait3A_113] : memref<204800x128xf32, #tpu.memory_space<hbm>> -> memref<128x128xf32, #tpu.memory_space<hbm>>
    %dma_wait3A_115 = arith.constant 0 : i32
    %dma_wait3A_116 = tpu.memref_slice %arg9[%multiple_of3A_112, %dma_wait3A_115] : memref<204800x128xf32, #tpu.memory_space<hbm>> -> memref<128x128xf32, #tpu.memory_space<hbm>>
    tpu.wait_dma2 semaphore(%arg26 : memref<!tpu.dma_semaphore, #tpu.memory_space<semaphore_mem>>) src(%arg11 : memref<128x128xf32, #tpu.memory_space<vmem>>) dst(%dma_wait3A_116 : memref<128x128xf32, #tpu.memory_space<hbm>>)
    %add3A_117 = arith.constant 0 : i32
    %add3A_118 = arith.addi %mul3A_2, %add3A_117 : i32
    %multiple_of3A_119 = tpu.assume_multiple %add3A_118, 128 : i32
    %dma_wait3A_120 = arith.constant 0 : i32
    %dma_wait3A_121 = tpu.memref_slice %arg9[%multiple_of3A_119, %dma_wait3A_120] : memref<204800x128xf32, #tpu.memory_space<hbm>> -> memref<128x128xf32, #tpu.memory_space<hbm>>
    %dma_wait3A_122 = arith.constant 0 : i32
    %dma_wait3A_123 = tpu.memref_slice %arg9[%multiple_of3A_119, %dma_wait3A_122] : memref<204800x128xf32, #tpu.memory_space<hbm>> -> memref<128x128xf32, #tpu.memory_space<hbm>>
    tpu.wait_dma2 semaphore(%arg27 : memref<!tpu.dma_semaphore, #tpu.memory_space<semaphore_mem>>) src(%arg12 : memref<128x128xf32, #tpu.memory_space<vmem>>) dst(%dma_wait3A_123 : memref<128x128xf32, #tpu.memory_space<hbm>>)
    %add3A_124 = arith.constant 0 : i32
    %add3A_125 = arith.addi %mul3A_2, %add3A_124 : i32
    %multiple_of3A_126 = tpu.assume_multiple %add3A_125, 128 : i32
    %dma_wait3A_127 = arith.constant 0 : i32
    %dma_wait3A_128 = tpu.memref_slice %arg9[%multiple_of3A_126, %dma_wait3A_127] : memref<204800x128xf32, #tpu.memory_space<hbm>> -> memref<128x128xf32, #tpu.memory_space<hbm>>
    %dma_wait3A_129 = arith.constant 0 : i32
    %dma_wait3A_130 = tpu.memref_slice %arg9[%multiple_of3A_126, %dma_wait3A_129] : memref<204800x128xf32, #tpu.memory_space<hbm>> -> memref<128x128xf32, #tpu.memory_space<hbm>>
    tpu.wait_dma2 semaphore(%arg28 : memref<!tpu.dma_semaphore, #tpu.memory_space<semaphore_mem>>) src(%arg13 : memref<128x128xf32, #tpu.memory_space<vmem>>) dst(%dma_wait3A_130 : memref<128x128xf32, #tpu.memory_space<hbm>>)
    %add3A_131 = arith.constant 0 : i32
    %add3A_132 = arith.addi %mul3A_2, %add3A_131 : i32
    %multiple_of3A_133 = tpu.assume_multiple %add3A_132, 128 : i32
    %dma_wait3A_134 = arith.constant 0 : i32
    %dma_wait3A_135 = tpu.memref_slice %arg9[%multiple_of3A_133, %dma_wait3A_134] : memref<204800x128xf32, #tpu.memory_space<hbm>> -> memref<128x128xf32, #tpu.memory_space<hbm>>
    %dma_wait3A_136 = arith.constant 0 : i32
    %dma_wait3A_137 = tpu.memref_slice %arg9[%multiple_of3A_133, %dma_wait3A_136] : memref<204800x128xf32, #tpu.memory_space<hbm>> -> memref<128x128xf32, #tpu.memory_space<hbm>>
    tpu.wait_dma2 semaphore(%arg29 : memref<!tpu.dma_semaphore, #tpu.memory_space<semaphore_mem>>) src(%arg14 : memref<128x128xf32, #tpu.memory_space<vmem>>) dst(%dma_wait3A_137 : memref<128x128xf32, #tpu.memory_space<hbm>>)
    %add3A_138 = arith.constant 0 : i32
    %add3A_139 = arith.addi %mul3A_2, %add3A_138 : i32
    %multiple_of3A_140 = tpu.assume_multiple %add3A_139, 128 : i32
    %dma_wait3A_141 = arith.constant 0 : i32
    %dma_wait3A_142 = tpu.memref_slice %arg9[%multiple_of3A_140, %dma_wait3A_141] : memref<204800x128xf32, #tpu.memory_space<hbm>> -> memref<128x128xf32, #tpu.memory_space<hbm>>
    %dma_wait3A_143 = arith.constant 0 : i32
    %dma_wait3A_144 = tpu.memref_slice %arg9[%multiple_of3A_140, %dma_wait3A_143] : memref<204800x128xf32, #tpu.memory_space<hbm>> -> memref<128x128xf32, #tpu.memory_space<hbm>>
    tpu.wait_dma2 semaphore(%arg30 : memref<!tpu.dma_semaphore, #tpu.memory_space<semaphore_mem>>) src(%arg15 : memref<128x128xf32, #tpu.memory_space<vmem>>) dst(%dma_wait3A_144 : memref<128x128xf32, #tpu.memory_space<hbm>>)
    "tpu.region"() ({
      %run_scoped3A = tpu.sem_alloc : memref<!tpu.dma_semaphore, #tpu.memory_space<semaphore_mem>>
      %dma_start3A_269 = arith.constant 0 : i32
      %dma_start3A_270 = arith.constant 0 : i32
      %dma_start3A_271 = tpu.memref_slice %arg7[%add3A, %dma_start3A_269, %dma_start3A_270] : memref<32x2x80xi32, #tpu.memory_space<hbm>> -> memref<1x2x80xi32, #tpu.memory_space<hbm>>
      %dma_start3A_272 = tpu.memref_squeeze %dma_start3A_271 : memref<1x2x80xi32, #tpu.memory_space<hbm>> -> memref<2x80xi32, #tpu.memory_space<hbm>>
      %dma_start3A_273 = arith.constant 0 : i32
      %dma_start3A_274 = arith.constant 0 : i32
      %dma_start3A_275 = tpu.memref_slice %arg7[%add3A, %dma_start3A_273, %dma_start3A_274] : memref<32x2x80xi32, #tpu.memory_space<hbm>> -> memref<1x2x80xi32, #tpu.memory_space<hbm>>
      %dma_start3A_276 = tpu.memref_squeeze %dma_start3A_275 : memref<1x2x80xi32, #tpu.memory_space<hbm>> -> memref<2x80xi32, #tpu.memory_space<hbm>>
      tpu.enqueue_dma source(%dma_start3A_276 : memref<2x80xi32, #tpu.memory_space<hbm>>) target(%arg16 : memref<2x80xi32, #tpu.memory_space<vmem>>) target_semaphore(%run_scoped3A : memref<!tpu.dma_semaphore, #tpu.memory_space<semaphore_mem>>)
      %dma_wait3A_277 = arith.constant 0 : i32
      %dma_wait3A_278 = arith.constant 0 : i32
      %dma_wait3A_279 = tpu.memref_slice %arg7[%add3A, %dma_wait3A_277, %dma_wait3A_278] : memref<32x2x80xi32, #tpu.memory_space<hbm>> -> memref<1x2x80xi32, #tpu.memory_space<hbm>>
      %dma_wait3A_280 = tpu.memref_squeeze %dma_wait3A_279 : memref<1x2x80xi32, #tpu.memory_space<hbm>> -> memref<2x80xi32, #tpu.memory_space<hbm>>
      %dma_wait3A_281 = arith.constant 0 : i32
      %dma_wait3A_282 = arith.constant 0 : i32
      %dma_wait3A_283 = tpu.memref_slice %arg7[%add3A, %dma_wait3A_281, %dma_wait3A_282] : memref<32x2x80xi32, #tpu.memory_space<hbm>> -> memref<1x2x80xi32, #tpu.memory_space<hbm>>
      %dma_wait3A_284 = tpu.memref_squeeze %dma_wait3A_283 : memref<1x2x80xi32, #tpu.memory_space<hbm>> -> memref<2x80xi32, #tpu.memory_space<hbm>>
      tpu.wait_dma2 semaphore(%run_scoped3A : memref<!tpu.dma_semaphore, #tpu.memory_space<semaphore_mem>>) src(%dma_wait3A_284 : memref<2x80xi32, #tpu.memory_space<hbm>>) dst(%arg16 : memref<2x80xi32, #tpu.memory_space<vmem>>)
      tpu.yield
    }) : () -> ()
    "tpu.region"() ({
      %run_scoped3A = tpu.sem_alloc : memref<!tpu.dma_semaphore, #tpu.memory_space<semaphore_mem>>
      %dma_start3A_269 = arith.constant 0 : i32
      %dma_start3A_270 = arith.constant 0 : i32
      %dma_start3A_271 = tpu.memref_slice %arg8[%add3A, %dma_start3A_269, %dma_start3A_270] : memref<32x2x80xi32, #tpu.memory_space<hbm>> -> memref<1x2x80xi32, #tpu.memory_space<hbm>>
      %dma_start3A_272 = tpu.memref_squeeze %dma_start3A_271 : memref<1x2x80xi32, #tpu.memory_space<hbm>> -> memref<2x80xi32, #tpu.memory_space<hbm>>
      %dma_start3A_273 = arith.constant 0 : i32
      %dma_start3A_274 = arith.constant 0 : i32
      %dma_start3A_275 = tpu.memref_slice %arg8[%add3A, %dma_start3A_273, %dma_start3A_274] : memref<32x2x80xi32, #tpu.memory_space<hbm>> -> memref<1x2x80xi32, #tpu.memory_space<hbm>>
      %dma_start3A_276 = tpu.memref_squeeze %dma_start3A_275 : memref<1x2x80xi32, #tpu.memory_space<hbm>> -> memref<2x80xi32, #tpu.memory_space<hbm>>
      tpu.enqueue_dma source(%dma_start3A_276 : memref<2x80xi32, #tpu.memory_space<hbm>>) target(%arg17 : memref<2x80xi32, #tpu.memory_space<vmem>>) target_semaphore(%run_scoped3A : memref<!tpu.dma_semaphore, #tpu.memory_space<semaphore_mem>>)
      %dma_wait3A_277 = arith.constant 0 : i32
      %dma_wait3A_278 = arith.constant 0 : i32
      %dma_wait3A_279 = tpu.memref_slice %arg8[%add3A, %dma_wait3A_277, %dma_wait3A_278] : memref<32x2x80xi32, #tpu.memory_space<hbm>> -> memref<1x2x80xi32, #tpu.memory_space<hbm>>
      %dma_wait3A_280 = tpu.memref_squeeze %dma_wait3A_279 : memref<1x2x80xi32, #tpu.memory_space<hbm>> -> memref<2x80xi32, #tpu.memory_space<hbm>>
      %dma_wait3A_281 = arith.constant 0 : i32
      %dma_wait3A_282 = arith.constant 0 : i32
      %dma_wait3A_283 = tpu.memref_slice %arg8[%add3A, %dma_wait3A_281, %dma_wait3A_282] : memref<32x2x80xi32, #tpu.memory_space<hbm>> -> memref<1x2x80xi32, #tpu.memory_space<hbm>>
      %dma_wait3A_284 = tpu.memref_squeeze %dma_wait3A_283 : memref<1x2x80xi32, #tpu.memory_space<hbm>> -> memref<2x80xi32, #tpu.memory_space<hbm>>
      tpu.wait_dma2 semaphore(%run_scoped3A : memref<!tpu.dma_semaphore, #tpu.memory_space<semaphore_mem>>) src(%dma_wait3A_284 : memref<2x80xi32, #tpu.memory_space<hbm>>) dst(%arg17 : memref<2x80xi32, #tpu.memory_space<vmem>>)
      tpu.yield
    }) : () -> ()
    %dma_start3A_145 = arith.constant 0 : i32
    %dma_start3A_146 = arith.constant 0 : i32
    %dma_start3A_147 = tpu.memref_slice %arg16[%dma_start3A_145, %dma_start3A_146] : memref<2x80xi32, #tpu.memory_space<vmem>> -> memref<1x80xi32, #tpu.memory_space<vmem>>
    %dma_start3A_148 = tpu.memref_squeeze %dma_start3A_147 : memref<1x80xi32, #tpu.memory_space<vmem>> -> memref<80xi32, #tpu.memory_space<vmem>>
    %dma_start3A_149 = arith.constant 0 : i32
    %dma_start3A_150 = arith.constant 0 : i32
    %dma_start3A_151 = tpu.memref_slice %arg4[%dma_start3A_149, %dma_start3A_150] : memref<5000x128xf32, #tpu.memory_space<hbm>> -> memref<5000x128xf32, #tpu.memory_space<hbm>>
    tpu.enqueue_indirect_dma source(%dma_start3A_151 : memref<5000x128xf32, #tpu.memory_space<hbm>>) target(%arg18 : memref<80x128xf32, #tpu.memory_space<vmem>>) offsets(%dma_start3A_148 : memref<80xi32, #tpu.memory_space<vmem>>) semaphore(%arg31 : memref<!tpu.dma_semaphore, #tpu.memory_space<semaphore_mem>>)
    %dma_start3A_152 = arith.constant 0 : i32
    %dma_start3A_153 = arith.constant 0 : i32
    %dma_start3A_154 = tpu.memref_slice %arg16[%dma_start3A_152, %dma_start3A_153] : memref<2x80xi32, #tpu.memory_space<vmem>> -> memref<1x80xi32, #tpu.memory_space<vmem>>
    %dma_start3A_155 = tpu.memref_squeeze %dma_start3A_154 : memref<1x80xi32, #tpu.memory_space<vmem>> -> memref<80xi32, #tpu.memory_space<vmem>>
    %dma_start3A_156 = arith.constant 0 : i32
    %dma_start3A_157 = arith.constant 0 : i32
    %dma_start3A_158 = tpu.memref_slice %arg5[%dma_start3A_156, %dma_start3A_157] : memref<5000x128xf32, #tpu.memory_space<hbm>> -> memref<5000x128xf32, #tpu.memory_space<hbm>>
    tpu.enqueue_indirect_dma source(%dma_start3A_158 : memref<5000x128xf32, #tpu.memory_space<hbm>>) target(%arg19 : memref<80x128xf32, #tpu.memory_space<vmem>>) offsets(%dma_start3A_155 : memref<80xi32, #tpu.memory_space<vmem>>) semaphore(%arg31 : memref<!tpu.dma_semaphore, #tpu.memory_space<semaphore_mem>>)
    %dma_start3A_159 = arith.constant 0 : i32
    %dma_start3A_160 = arith.constant 0 : i32
    %dma_start3A_161 = tpu.memref_slice %arg16[%dma_start3A_159, %dma_start3A_160] : memref<2x80xi32, #tpu.memory_space<vmem>> -> memref<1x80xi32, #tpu.memory_space<vmem>>
    %dma_start3A_162 = tpu.memref_squeeze %dma_start3A_161 : memref<1x80xi32, #tpu.memory_space<vmem>> -> memref<80xi32, #tpu.memory_space<vmem>>
    %dma_start3A_163 = arith.constant 0 : i32
    %dma_start3A_164 = arith.constant 0 : i32
    %dma_start3A_165 = tpu.memref_slice %arg6[%dma_start3A_163, %dma_start3A_164] : memref<5000x128xf32, #tpu.memory_space<hbm>> -> memref<5000x128xf32, #tpu.memory_space<hbm>>
    tpu.enqueue_indirect_dma source(%dma_start3A_165 : memref<5000x128xf32, #tpu.memory_space<hbm>>) target(%arg20 : memref<80x128xf32, #tpu.memory_space<vmem>>) offsets(%dma_start3A_162 : memref<80xi32, #tpu.memory_space<vmem>>) semaphore(%arg31 : memref<!tpu.dma_semaphore, #tpu.memory_space<semaphore_mem>>)
    %dma_wait3A_166 = arith.constant 0 : i32
    %dma_wait3A_167 = arith.constant 0 : i32
    %dma_wait3A_168 = tpu.memref_slice %arg16[%dma_wait3A_166, %dma_wait3A_167] : memref<2x80xi32, #tpu.memory_space<vmem>> -> memref<1x80xi32, #tpu.memory_space<vmem>>
    %dma_wait3A_169 = tpu.memref_squeeze %dma_wait3A_168 : memref<1x80xi32, #tpu.memory_space<vmem>> -> memref<80xi32, #tpu.memory_space<vmem>>
    %dma_wait3A_170 = arith.constant 0 : i32
    %dma_wait3A_171 = arith.constant 0 : i32
    %dma_wait3A_172 = tpu.memref_slice %arg4[%dma_wait3A_170, %dma_wait3A_171] : memref<5000x128xf32, #tpu.memory_space<hbm>> -> memref<5000x128xf32, #tpu.memory_space<hbm>>
    tpu.wait_indirect_dma semaphore(%arg31 : memref<!tpu.dma_semaphore, #tpu.memory_space<semaphore_mem>>) src(%dma_wait3A_172 : memref<5000x128xf32, #tpu.memory_space<hbm>>) dst(%arg18 : memref<80x128xf32, #tpu.memory_space<vmem>>)
    %dma_wait3A_173 = arith.constant 0 : i32
    %dma_wait3A_174 = arith.constant 0 : i32
    %dma_wait3A_175 = tpu.memref_slice %arg16[%dma_wait3A_173, %dma_wait3A_174] : memref<2x80xi32, #tpu.memory_space<vmem>> -> memref<1x80xi32, #tpu.memory_space<vmem>>
    %dma_wait3A_176 = tpu.memref_squeeze %dma_wait3A_175 : memref<1x80xi32, #tpu.memory_space<vmem>> -> memref<80xi32, #tpu.memory_space<vmem>>
    %dma_wait3A_177 = arith.constant 0 : i32
    %dma_wait3A_178 = arith.constant 0 : i32
    %dma_wait3A_179 = tpu.memref_slice %arg5[%dma_wait3A_177, %dma_wait3A_178] : memref<5000x128xf32, #tpu.memory_space<hbm>> -> memref<5000x128xf32, #tpu.memory_space<hbm>>
    tpu.wait_indirect_dma semaphore(%arg31 : memref<!tpu.dma_semaphore, #tpu.memory_space<semaphore_mem>>) src(%dma_wait3A_179 : memref<5000x128xf32, #tpu.memory_space<hbm>>) dst(%arg19 : memref<80x128xf32, #tpu.memory_space<vmem>>)
    %dma_wait3A_180 = arith.constant 0 : i32
    %dma_wait3A_181 = arith.constant 0 : i32
    %dma_wait3A_182 = tpu.memref_slice %arg16[%dma_wait3A_180, %dma_wait3A_181] : memref<2x80xi32, #tpu.memory_space<vmem>> -> memref<1x80xi32, #tpu.memory_space<vmem>>
    %dma_wait3A_183 = tpu.memref_squeeze %dma_wait3A_182 : memref<1x80xi32, #tpu.memory_space<vmem>> -> memref<80xi32, #tpu.memory_space<vmem>>
    %dma_wait3A_184 = arith.constant 0 : i32
    %dma_wait3A_185 = arith.constant 0 : i32
    %dma_wait3A_186 = tpu.memref_slice %arg6[%dma_wait3A_184, %dma_wait3A_185] : memref<5000x128xf32, #tpu.memory_space<hbm>> -> memref<5000x128xf32, #tpu.memory_space<hbm>>
    tpu.wait_indirect_dma semaphore(%arg31 : memref<!tpu.dma_semaphore, #tpu.memory_space<semaphore_mem>>) src(%dma_wait3A_186 : memref<5000x128xf32, #tpu.memory_space<hbm>>) dst(%arg20 : memref<80x128xf32, #tpu.memory_space<vmem>>)
    %scan3A_187 = arith.constant 0 : i32
    %scan3A_188 = arith.constant 0 : i32
    %scan3A_189 = arith.constant 80 : i32
    %scan3A_190 = arith.addi %scan3A_188, %scan3A_189 : i32
    %scan3A_191 = arith.constant 1 : i32
    scf.for %scan3A_269 = %scan3A_188 to %scan3A_190 step %scan3A_191  : i32 {
      %get3A = arith.index_cast %scan3A_269 : i32 to index
      %get3A_270 = arith.constant 0 : index
      %get3A_271 = tpu.vector_load %arg18[%get3A, %get3A_270] {strides = array<i32>} : memref<80x128xf32, #tpu.memory_space<vmem>>, vector<1x16xf32>,
      %get3A_272 = vector.shape_cast %get3A_271 : vector<1x16xf32> to vector<16xf32>
      %get3A_273 = arith.index_cast %scan3A_269 : i32 to index
      %get3A_274 = arith.constant 0 : index
      %get3A_275 = tpu.vector_load %arg19[%get3A_273, %get3A_274] {strides = array<i32>} : memref<80x128xf32, #tpu.memory_space<vmem>>, vector<1x16xf32>,
      %get3A_276 = vector.shape_cast %get3A_275 : vector<1x16xf32> to vector<16xf32>
      %get3A_277 = arith.index_cast %scan3A_269 : i32 to index
      %get3A_278 = arith.constant 0 : index
      %get3A_279 = tpu.vector_load %arg20[%get3A_277, %get3A_278] {strides = array<i32>} : memref<80x128xf32, #tpu.memory_space<vmem>>, vector<1x16xf32>,
      %get3A_280 = vector.shape_cast %get3A_279 : vector<1x16xf32> to vector<16xf32>
      %mul3A_281 = arith.mulf %get3A_276, %get3A_280 : vector<16xf32>
      %add3A_282 = arith.addf %get3A_272, %mul3A_281 : vector<16xf32>
      %swap3A = arith.index_cast %scan3A_269 : i32 to index
      %swap3A_283 = arith.constant 0 : index
      %swap3A_284 = tpu.vector_load %arg18[%swap3A, %swap3A_283] {strides = array<i32>} : memref<80x128xf32, #tpu.memory_space<vmem>>, vector<1x16xf32>,
      %swap3A_285 = vector.shape_cast %swap3A_284 : vector<1x16xf32> to vector<16xf32>
      %swap3A_286 = vector.shape_cast %add3A_282 : vector<16xf32> to vector<1x16xf32>
      tpu.vector_store %arg18[%swap3A, %swap3A_283], %swap3A_286 {strides = array<i32>} : memref<80x128xf32, #tpu.memory_space<vmem>>, vector<1x16xf32>,
      %get3A_287 = arith.index_cast %scan3A_269 : i32 to index
      %get3A_288 = arith.constant 16 : index
      %get3A_289 = tpu.vector_load %arg18[%get3A_287, %get3A_288] {strides = array<i32>} : memref<80x128xf32, #tpu.memory_space<vmem>>, vector<1x16xf32>,
      %get3A_290 = vector.shape_cast %get3A_289 : vector<1x16xf32> to vector<16xf32>
      %get3A_291 = arith.index_cast %scan3A_269 : i32 to index
      %get3A_292 = arith.constant 16 : index
      %get3A_293 = tpu.vector_load %arg19[%get3A_291, %get3A_292] {strides = array<i32>} : memref<80x128xf32, #tpu.memory_space<vmem>>, vector<1x16xf32>,
      %get3A_294 = vector.shape_cast %get3A_293 : vector<1x16xf32> to vector<16xf32>
      %get3A_295 = arith.index_cast %scan3A_269 : i32 to index
      %get3A_296 = arith.constant 16 : index
      %get3A_297 = tpu.vector_load %arg20[%get3A_295, %get3A_296] {strides = array<i32>} : memref<80x128xf32, #tpu.memory_space<vmem>>, vector<1x16xf32>,
      %get3A_298 = vector.shape_cast %get3A_297 : vector<1x16xf32> to vector<16xf32>
      %mul3A_299 = arith.mulf %get3A_294, %get3A_298 : vector<16xf32>
      %add3A_300 = arith.addf %get3A_290, %mul3A_299 : vector<16xf32>
      %swap3A_301 = arith.index_cast %scan3A_269 : i32 to index
      %swap3A_302 = arith.constant 16 : index
      %swap3A_303 = tpu.vector_load %arg18[%swap3A_301, %swap3A_302] {strides = array<i32>} : memref<80x128xf32, #tpu.memory_space<vmem>>, vector<1x16xf32>,
      %swap3A_304 = vector.shape_cast %swap3A_303 : vector<1x16xf32> to vector<16xf32>
      %swap3A_305 = vector.shape_cast %add3A_300 : vector<16xf32> to vector<1x16xf32>
      tpu.vector_store %arg18[%swap3A_301, %swap3A_302], %swap3A_305 {strides = array<i32>} : memref<80x128xf32, #tpu.memory_space<vmem>>, vector<1x16xf32>,
      %get3A_306 = arith.index_cast %scan3A_269 : i32 to index
      %get3A_307 = arith.constant 32 : index
      %get3A_308 = tpu.vector_load %arg18[%get3A_306, %get3A_307] {strides = array<i32>} : memref<80x128xf32, #tpu.memory_space<vmem>>, vector<1x16xf32>,
      %get3A_309 = vector.shape_cast %get3A_308 : vector<1x16xf32> to vector<16xf32>
      %get3A_310 = arith.index_cast %scan3A_269 : i32 to index
      %get3A_311 = arith.constant 32 : index
      %get3A_312 = tpu.vector_load %arg19[%get3A_310, %get3A_311] {strides = array<i32>} : memref<80x128xf32, #tpu.memory_space<vmem>>, vector<1x16xf32>,
      %get3A_313 = vector.shape_cast %get3A_312 : vector<1x16xf32> to vector<16xf32>
      %get3A_314 = arith.index_cast %scan3A_269 : i32 to index
      %get3A_315 = arith.constant 32 : index
      %get3A_316 = tpu.vector_load %arg20[%get3A_314, %get3A_315] {strides = array<i32>} : memref<80x128xf32, #tpu.memory_space<vmem>>, vector<1x16xf32>,
      %get3A_317 = vector.shape_cast %get3A_316 : vector<1x16xf32> to vector<16xf32>
      %mul3A_318 = arith.mulf %get3A_313, %get3A_317 : vector<16xf32>
      %add3A_319 = arith.addf %get3A_309, %mul3A_318 : vector<16xf32>
      %swap3A_320 = arith.index_cast %scan3A_269 : i32 to index
      %swap3A_321 = arith.constant 32 : index
      %swap3A_322 = tpu.vector_load %arg18[%swap3A_320, %swap3A_321] {strides = array<i32>} : memref<80x128xf32, #tpu.memory_space<vmem>>, vector<1x16xf32>,
      %swap3A_323 = vector.shape_cast %swap3A_322 : vector<1x16xf32> to vector<16xf32>
      %swap3A_324 = vector.shape_cast %add3A_319 : vector<16xf32> to vector<1x16xf32>
      tpu.vector_store %arg18[%swap3A_320, %swap3A_321], %swap3A_324 {strides = array<i32>} : memref<80x128xf32, #tpu.memory_space<vmem>>, vector<1x16xf32>,
      %get3A_325 = arith.index_cast %scan3A_269 : i32 to index
      %get3A_326 = arith.constant 48 : index
      %get3A_327 = tpu.vector_load %arg18[%get3A_325, %get3A_326] {strides = array<i32>} : memref<80x128xf32, #tpu.memory_space<vmem>>, vector<1x16xf32>,
      %get3A_328 = vector.shape_cast %get3A_327 : vector<1x16xf32> to vector<16xf32>
      %get3A_329 = arith.index_cast %scan3A_269 : i32 to index
      %get3A_330 = arith.constant 48 : index
      %get3A_331 = tpu.vector_load %arg19[%get3A_329, %get3A_330] {strides = array<i32>} : memref<80x128xf32, #tpu.memory_space<vmem>>, vector<1x16xf32>,
      %get3A_332 = vector.shape_cast %get3A_331 : vector<1x16xf32> to vector<16xf32>
      %get3A_333 = arith.index_cast %scan3A_269 : i32 to index
      %get3A_334 = arith.constant 48 : index
      %get3A_335 = tpu.vector_load %arg20[%get3A_333, %get3A_334] {strides = array<i32>} : memref<80x128xf32, #tpu.memory_space<vmem>>, vector<1x16xf32>,
      %get3A_336 = vector.shape_cast %get3A_335 : vector<1x16xf32> to vector<16xf32>
      %mul3A_337 = arith.mulf %get3A_332, %get3A_336 : vector<16xf32>
      %add3A_338 = arith.addf %get3A_328, %mul3A_337 : vector<16xf32>
      %swap3A_339 = arith.index_cast %scan3A_269 : i32 to index
      %swap3A_340 = arith.constant 48 : index
      %swap3A_341 = tpu.vector_load %arg18[%swap3A_339, %swap3A_340] {strides = array<i32>} : memref<80x128xf32, #tpu.memory_space<vmem>>, vector<1x16xf32>,
      %swap3A_342 = vector.shape_cast %swap3A_341 : vector<1x16xf32> to vector<16xf32>
      %swap3A_343 = vector.shape_cast %add3A_338 : vector<16xf32> to vector<1x16xf32>
      tpu.vector_store %arg18[%swap3A_339, %swap3A_340], %swap3A_343 {strides = array<i32>} : memref<80x128xf32, #tpu.memory_space<vmem>>, vector<1x16xf32>,
      %get3A_344 = arith.index_cast %scan3A_269 : i32 to index
      %get3A_345 = arith.constant 64 : index
      %get3A_346 = tpu.vector_load %arg18[%get3A_344, %get3A_345] {strides = array<i32>} : memref<80x128xf32, #tpu.memory_space<vmem>>, vector<1x16xf32>,
      %get3A_347 = vector.shape_cast %get3A_346 : vector<1x16xf32> to vector<16xf32>
      %get3A_348 = arith.index_cast %scan3A_269 : i32 to index
      %get3A_349 = arith.constant 64 : index
      %get3A_350 = tpu.vector_load %arg19[%get3A_348, %get3A_349] {strides = array<i32>} : memref<80x128xf32, #tpu.memory_space<vmem>>, vector<1x16xf32>,
      %get3A_351 = vector.shape_cast %get3A_350 : vector<1x16xf32> to vector<16xf32>
      %get3A_352 = arith.index_cast %scan3A_269 : i32 to index
      %get3A_353 = arith.constant 64 : index
      %get3A_354 = tpu.vector_load %arg20[%get3A_352, %get3A_353] {strides = array<i32>} : memref<80x128xf32, #tpu.memory_space<vmem>>, vector<1x16xf32>,
      %get3A_355 = vector.shape_cast %get3A_354 : vector<1x16xf32> to vector<16xf32>
      %mul3A_356 = arith.mulf %get3A_351, %get3A_355 : vector<16xf32>
      %add3A_357 = arith.addf %get3A_347, %mul3A_356 : vector<16xf32>
      %swap3A_358 = arith.index_cast %scan3A_269 : i32 to index
      %swap3A_359 = arith.constant 64 : index
      %swap3A_360 = tpu.vector_load %arg18[%swap3A_358, %swap3A_359] {strides = array<i32>} : memref<80x128xf32, #tpu.memory_space<vmem>>, vector<1x16xf32>,
      %swap3A_361 = vector.shape_cast %swap3A_360 : vector<1x16xf32> to vector<16xf32>
      %swap3A_362 = vector.shape_cast %add3A_357 : vector<16xf32> to vector<1x16xf32>
      tpu.vector_store %arg18[%swap3A_358, %swap3A_359], %swap3A_362 {strides = array<i32>} : memref<80x128xf32, #tpu.memory_space<vmem>>, vector<1x16xf32>,
      %get3A_363 = arith.index_cast %scan3A_269 : i32 to index
      %get3A_364 = arith.constant 80 : index
      %get3A_365 = tpu.vector_load %arg18[%get3A_363, %get3A_364] {strides = array<i32>} : memref<80x128xf32, #tpu.memory_space<vmem>>, vector<1x16xf32>,
      %get3A_366 = vector.shape_cast %get3A_365 : vector<1x16xf32> to vector<16xf32>
      %get3A_367 = arith.index_cast %scan3A_269 : i32 to index
      %get3A_368 = arith.constant 80 : index
      %get3A_369 = tpu.vector_load %arg19[%get3A_367, %get3A_368] {strides = array<i32>} : memref<80x128xf32, #tpu.memory_space<vmem>>, vector<1x16xf32>,
      %get3A_370 = vector.shape_cast %get3A_369 : vector<1x16xf32> to vector<16xf32>
      %get3A_371 = arith.index_cast %scan3A_269 : i32 to index
      %get3A_372 = arith.constant 80 : index
      %get3A_373 = tpu.vector_load %arg20[%get3A_371, %get3A_372] {strides = array<i32>} : memref<80x128xf32, #tpu.memory_space<vmem>>, vector<1x16xf32>,
      %get3A_374 = vector.shape_cast %get3A_373 : vector<1x16xf32> to vector<16xf32>
      %mul3A_375 = arith.mulf %get3A_370, %get3A_374 : vector<16xf32>
      %add3A_376 = arith.addf %get3A_366, %mul3A_375 : vector<16xf32>
      %swap3A_377 = arith.index_cast %scan3A_269 : i32 to index
      %swap3A_378 = arith.constant 80 : index
      %swap3A_379 = tpu.vector_load %arg18[%swap3A_377, %swap3A_378] {strides = array<i32>} : memref<80x128xf32, #tpu.memory_space<vmem>>, vector<1x16xf32>,
      %swap3A_380 = vector.shape_cast %swap3A_379 : vector<1x16xf32> to vector<16xf32>
      %swap3A_381 = vector.shape_cast %add3A_376 : vector<16xf32> to vector<1x16xf32>
      tpu.vector_store %arg18[%swap3A_377, %swap3A_378], %swap3A_381 {strides = array<i32>} : memref<80x128xf32, #tpu.memory_space<vmem>>, vector<1x16xf32>,
      %get3A_382 = arith.index_cast %scan3A_269 : i32 to index
      %get3A_383 = arith.constant 96 : index
      %get3A_384 = tpu.vector_load %arg18[%get3A_382, %get3A_383] {strides = array<i32>} : memref<80x128xf32, #tpu.memory_space<vmem>>, vector<1x16xf32>,
      %get3A_385 = vector.shape_cast %get3A_384 : vector<1x16xf32> to vector<16xf32>
      %get3A_386 = arith.index_cast %scan3A_269 : i32 to index
      %get3A_387 = arith.constant 96 : index
      %get3A_388 = tpu.vector_load %arg19[%get3A_386, %get3A_387] {strides = array<i32>} : memref<80x128xf32, #tpu.memory_space<vmem>>, vector<1x16xf32>,
      %get3A_389 = vector.shape_cast %get3A_388 : vector<1x16xf32> to vector<16xf32>
      %get3A_390 = arith.index_cast %scan3A_269 : i32 to index
      %get3A_391 = arith.constant 96 : index
      %get3A_392 = tpu.vector_load %arg20[%get3A_390, %get3A_391] {strides = array<i32>} : memref<80x128xf32, #tpu.memory_space<vmem>>, vector<1x16xf32>,
      %get3A_393 = vector.shape_cast %get3A_392 : vector<1x16xf32> to vector<16xf32>
      %mul3A_394 = arith.mulf %get3A_389, %get3A_393 : vector<16xf32>
      %add3A_395 = arith.addf %get3A_385, %mul3A_394 : vector<16xf32>
      %swap3A_396 = arith.index_cast %scan3A_269 : i32 to index
      %swap3A_397 = arith.constant 96 : index
      %swap3A_398 = tpu.vector_load %arg18[%swap3A_396, %swap3A_397] {strides = array<i32>} : memref<80x128xf32, #tpu.memory_space<vmem>>, vector<1x16xf32>,
      %swap3A_399 = vector.shape_cast %swap3A_398 : vector<1x16xf32> to vector<16xf32>
      %swap3A_400 = vector.shape_cast %add3A_395 : vector<16xf32> to vector<1x16xf32>
      tpu.vector_store %arg18[%swap3A_396, %swap3A_397], %swap3A_400 {strides = array<i32>} : memref<80x128xf32, #tpu.memory_space<vmem>>, vector<1x16xf32>,
      %get3A_401 = arith.index_cast %scan3A_269 : i32 to index
      %get3A_402 = arith.constant 112 : index
      %get3A_403 = tpu.vector_load %arg18[%get3A_401, %get3A_402] {strides = array<i32>} : memref<80x128xf32, #tpu.memory_space<vmem>>, vector<1x16xf32>,
      %get3A_404 = vector.shape_cast %get3A_403 : vector<1x16xf32> to vector<16xf32>
      %get3A_405 = arith.index_cast %scan3A_269 : i32 to index
      %get3A_406 = arith.constant 112 : index
      %get3A_407 = tpu.vector_load %arg19[%get3A_405, %get3A_406] {strides = array<i32>} : memref<80x128xf32, #tpu.memory_space<vmem>>, vector<1x16xf32>,
      %get3A_408 = vector.shape_cast %get3A_407 : vector<1x16xf32> to vector<16xf32>
      %get3A_409 = arith.index_cast %scan3A_269 : i32 to index
      %get3A_410 = arith.constant 112 : index
      %get3A_411 = tpu.vector_load %arg20[%get3A_409, %get3A_410] {strides = array<i32>} : memref<80x128xf32, #tpu.memory_space<vmem>>, vector<1x16xf32>,
      %get3A_412 = vector.shape_cast %get3A_411 : vector<1x16xf32> to vector<16xf32>
      %mul3A_413 = arith.mulf %get3A_408, %get3A_412 : vector<16xf32>
      %add3A_414 = arith.addf %get3A_404, %mul3A_413 : vector<16xf32>
      %swap3A_415 = arith.index_cast %scan3A_269 : i32 to index
      %swap3A_416 = arith.constant 112 : index
      %swap3A_417 = tpu.vector_load %arg18[%swap3A_415, %swap3A_416] {strides = array<i32>} : memref<80x128xf32, #tpu.memory_space<vmem>>, vector<1x16xf32>,
      %swap3A_418 = vector.shape_cast %swap3A_417 : vector<1x16xf32> to vector<16xf32>
      %swap3A_419 = vector.shape_cast %add3A_414 : vector<16xf32> to vector<1x16xf32>
      tpu.vector_store %arg18[%swap3A_415, %swap3A_416], %swap3A_419 {strides = array<i32>} : memref<80x128xf32, #tpu.memory_space<vmem>>, vector<1x16xf32>,
    }
    %scan3A_192 = arith.constant 80 : i32
    %dma_start3A_193 = arith.constant 0 : i32
    %dma_start3A_194 = arith.constant 0 : i32
    %dma_start3A_195 = tpu.memref_slice %arg17[%dma_start3A_193, %dma_start3A_194] : memref<2x80xi32, #tpu.memory_space<vmem>> -> memref<1x80xi32, #tpu.memory_space<vmem>>
    %dma_start3A_196 = tpu.memref_squeeze %dma_start3A_195 : memref<1x80xi32, #tpu.memory_space<vmem>> -> memref<80xi32, #tpu.memory_space<vmem>>
    %dma_start3A_197 = arith.constant 0 : i32
    %dma_start3A_198 = arith.constant 0 : i32
    %dma_start3A_199 = tpu.memref_slice %arg9[%dma_start3A_197, %dma_start3A_198] : memref<204800x128xf32, #tpu.memory_space<hbm>> -> memref<204800x128xf32, #tpu.memory_space<hbm>>
    tpu.enqueue_indirect_dma source(%arg18 : memref<80x128xf32, #tpu.memory_space<vmem>>) target(%dma_start3A_199 : memref<204800x128xf32, #tpu.memory_space<hbm>>) offsets(%dma_start3A_196 : memref<80xi32, #tpu.memory_space<vmem>>) semaphore(%arg31 : memref<!tpu.dma_semaphore, #tpu.memory_space<semaphore_mem>>)
    %dma_wait3A_200 = arith.constant 0 : i32
    %dma_wait3A_201 = arith.constant 0 : i32
    %dma_wait3A_202 = tpu.memref_slice %arg17[%dma_wait3A_200, %dma_wait3A_201] : memref<2x80xi32, #tpu.memory_space<vmem>> -> memref<1x80xi32, #tpu.memory_space<vmem>>
    %dma_wait3A_203 = tpu.memref_squeeze %dma_wait3A_202 : memref<1x80xi32, #tpu.memory_space<vmem>> -> memref<80xi32, #tpu.memory_space<vmem>>
    %dma_wait3A_204 = arith.constant 0 : i32
    %dma_wait3A_205 = arith.constant 0 : i32
    %dma_wait3A_206 = tpu.memref_slice %arg9[%dma_wait3A_204, %dma_wait3A_205] : memref<204800x128xf32, #tpu.memory_space<hbm>> -> memref<204800x128xf32, #tpu.memory_space<hbm>>
    tpu.wait_indirect_dma semaphore(%arg31 : memref<!tpu.dma_semaphore, #tpu.memory_space<semaphore_mem>>) src(%arg18 : memref<80x128xf32, #tpu.memory_space<vmem>>) dst(%dma_wait3A_206 : memref<204800x128xf32, #tpu.memory_space<hbm>>)
    %dma_start3A_207 = arith.constant 1 : i32
    %dma_start3A_208 = arith.constant 0 : i32
    %dma_start3A_209 = tpu.memref_slice %arg16[%dma_start3A_207, %dma_start3A_208] : memref<2x80xi32, #tpu.memory_space<vmem>> -> memref<1x80xi32, #tpu.memory_space<vmem>>
    %dma_start3A_210 = tpu.memref_squeeze %dma_start3A_209 : memref<1x80xi32, #tpu.memory_space<vmem>> -> memref<80xi32, #tpu.memory_space<vmem>>
    %dma_start3A_211 = arith.constant 0 : i32
    %dma_start3A_212 = arith.constant 0 : i32
    %dma_start3A_213 = tpu.memref_slice %arg4[%dma_start3A_211, %dma_start3A_212] : memref<5000x128xf32, #tpu.memory_space<hbm>> -> memref<5000x128xf32, #tpu.memory_space<hbm>>
    tpu.enqueue_indirect_dma source(%dma_start3A_213 : memref<5000x128xf32, #tpu.memory_space<hbm>>) target(%arg18 : memref<80x128xf32, #tpu.memory_space<vmem>>) offsets(%dma_start3A_210 : memref<80xi32, #tpu.memory_space<vmem>>) semaphore(%arg31 : memref<!tpu.dma_semaphore, #tpu.memory_space<semaphore_mem>>)
    %dma_start3A_214 = arith.constant 1 : i32
    %dma_start3A_215 = arith.constant 0 : i32
    %dma_start3A_216 = tpu.memref_slice %arg16[%dma_start3A_214, %dma_start3A_215] : memref<2x80xi32, #tpu.memory_space<vmem>> -> memref<1x80xi32, #tpu.memory_space<vmem>>
    %dma_start3A_217 = tpu.memref_squeeze %dma_start3A_216 : memref<1x80xi32, #tpu.memory_space<vmem>> -> memref<80xi32, #tpu.memory_space<vmem>>
    %dma_start3A_218 = arith.constant 0 : i32
    %dma_start3A_219 = arith.constant 0 : i32
    %dma_start3A_220 = tpu.memref_slice %arg5[%dma_start3A_218, %dma_start3A_219] : memref<5000x128xf32, #tpu.memory_space<hbm>> -> memref<5000x128xf32, #tpu.memory_space<hbm>>
    tpu.enqueue_indirect_dma source(%dma_start3A_220 : memref<5000x128xf32, #tpu.memory_space<hbm>>) target(%arg19 : memref<80x128xf32, #tpu.memory_space<vmem>>) offsets(%dma_start3A_217 : memref<80xi32, #tpu.memory_space<vmem>>) semaphore(%arg31 : memref<!tpu.dma_semaphore, #tpu.memory_space<semaphore_mem>>)
    %dma_start3A_221 = arith.constant 1 : i32
    %dma_start3A_222 = arith.constant 0 : i32
    %dma_start3A_223 = tpu.memref_slice %arg16[%dma_start3A_221, %dma_start3A_222] : memref<2x80xi32, #tpu.memory_space<vmem>> -> memref<1x80xi32, #tpu.memory_space<vmem>>
    %dma_start3A_224 = tpu.memref_squeeze %dma_start3A_223 : memref<1x80xi32, #tpu.memory_space<vmem>> -> memref<80xi32, #tpu.memory_space<vmem>>
    %dma_start3A_225 = arith.constant 0 : i32
    %dma_start3A_226 = arith.constant 0 : i32
    %dma_start3A_227 = tpu.memref_slice %arg6[%dma_start3A_225, %dma_start3A_226] : memref<5000x128xf32, #tpu.memory_space<hbm>> -> memref<5000x128xf32, #tpu.memory_space<hbm>>
    tpu.enqueue_indirect_dma source(%dma_start3A_227 : memref<5000x128xf32, #tpu.memory_space<hbm>>) target(%arg20 : memref<80x128xf32, #tpu.memory_space<vmem>>) offsets(%dma_start3A_224 : memref<80xi32, #tpu.memory_space<vmem>>) semaphore(%arg31 : memref<!tpu.dma_semaphore, #tpu.memory_space<semaphore_mem>>)
    %dma_wait3A_228 = arith.constant 1 : i32
    %dma_wait3A_229 = arith.constant 0 : i32
    %dma_wait3A_230 = tpu.memref_slice %arg16[%dma_wait3A_228, %dma_wait3A_229] : memref<2x80xi32, #tpu.memory_space<vmem>> -> memref<1x80xi32, #tpu.memory_space<vmem>>
    %dma_wait3A_231 = tpu.memref_squeeze %dma_wait3A_230 : memref<1x80xi32, #tpu.memory_space<vmem>> -> memref<80xi32, #tpu.memory_space<vmem>>
    %dma_wait3A_232 = arith.constant 0 : i32
    %dma_wait3A_233 = arith.constant 0 : i32
    %dma_wait3A_234 = tpu.memref_slice %arg4[%dma_wait3A_232, %dma_wait3A_233] : memref<5000x128xf32, #tpu.memory_space<hbm>> -> memref<5000x128xf32, #tpu.memory_space<hbm>>
    tpu.wait_indirect_dma semaphore(%arg31 : memref<!tpu.dma_semaphore, #tpu.memory_space<semaphore_mem>>) src(%dma_wait3A_234 : memref<5000x128xf32, #tpu.memory_space<hbm>>) dst(%arg18 : memref<80x128xf32, #tpu.memory_space<vmem>>)
    %dma_wait3A_235 = arith.constant 1 : i32
    %dma_wait3A_236 = arith.constant 0 : i32
    %dma_wait3A_237 = tpu.memref_slice %arg16[%dma_wait3A_235, %dma_wait3A_236] : memref<2x80xi32, #tpu.memory_space<vmem>> -> memref<1x80xi32, #tpu.memory_space<vmem>>
    %dma_wait3A_238 = tpu.memref_squeeze %dma_wait3A_237 : memref<1x80xi32, #tpu.memory_space<vmem>> -> memref<80xi32, #tpu.memory_space<vmem>>
    %dma_wait3A_239 = arith.constant 0 : i32
    %dma_wait3A_240 = arith.constant 0 : i32
    %dma_wait3A_241 = tpu.memref_slice %arg5[%dma_wait3A_239, %dma_wait3A_240] : memref<5000x128xf32, #tpu.memory_space<hbm>> -> memref<5000x128xf32, #tpu.memory_space<hbm>>
    tpu.wait_indirect_dma semaphore(%arg31 : memref<!tpu.dma_semaphore, #tpu.memory_space<semaphore_mem>>) src(%dma_wait3A_241 : memref<5000x128xf32, #tpu.memory_space<hbm>>) dst(%arg19 : memref<80x128xf32, #tpu.memory_space<vmem>>)
    %dma_wait3A_242 = arith.constant 1 : i32
    %dma_wait3A_243 = arith.constant 0 : i32
    %dma_wait3A_244 = tpu.memref_slice %arg16[%dma_wait3A_242, %dma_wait3A_243] : memref<2x80xi32, #tpu.memory_space<vmem>> -> memref<1x80xi32, #tpu.memory_space<vmem>>
    %dma_wait3A_245 = tpu.memref_squeeze %dma_wait3A_244 : memref<1x80xi32, #tpu.memory_space<vmem>> -> memref<80xi32, #tpu.memory_space<vmem>>
    %dma_wait3A_246 = arith.constant 0 : i32
    %dma_wait3A_247 = arith.constant 0 : i32
    %dma_wait3A_248 = tpu.memref_slice %arg6[%dma_wait3A_246, %dma_wait3A_247] : memref<5000x128xf32, #tpu.memory_space<hbm>> -> memref<5000x128xf32, #tpu.memory_space<hbm>>
    tpu.wait_indirect_dma semaphore(%arg31 : memref<!tpu.dma_semaphore, #tpu.memory_space<semaphore_mem>>) src(%dma_wait3A_248 : memref<5000x128xf32, #tpu.memory_space<hbm>>) dst(%arg20 : memref<80x128xf32, #tpu.memory_space<vmem>>)
    %scan3A_249 = arith.constant 0 : i32
    %scan3A_250 = arith.constant 0 : i32
    %scan3A_251 = arith.constant 80 : i32
    %scan3A_252 = arith.addi %scan3A_250, %scan3A_251 : i32
    %scan3A_253 = arith.constant 1 : i32
    scf.for %scan3A_269 = %scan3A_250 to %scan3A_252 step %scan3A_253  : i32 {
      %get3A = arith.index_cast %scan3A_269 : i32 to index
      %get3A_270 = arith.constant 0 : index
      %get3A_271 = tpu.vector_load %arg18[%get3A, %get3A_270] {strides = array<i32>} : memref<80x128xf32, #tpu.memory_space<vmem>>, vector<1x16xf32>,
      %get3A_272 = vector.shape_cast %get3A_271 : vector<1x16xf32> to vector<16xf32>
      %get3A_273 = arith.index_cast %scan3A_269 : i32 to index
      %get3A_274 = arith.constant 0 : index
      %get3A_275 = tpu.vector_load %arg19[%get3A_273, %get3A_274] {strides = array<i32>} : memref<80x128xf32, #tpu.memory_space<vmem>>, vector<1x16xf32>,
      %get3A_276 = vector.shape_cast %get3A_275 : vector<1x16xf32> to vector<16xf32>
      %get3A_277 = arith.index_cast %scan3A_269 : i32 to index
      %get3A_278 = arith.constant 0 : index
      %get3A_279 = tpu.vector_load %arg20[%get3A_277, %get3A_278] {strides = array<i32>} : memref<80x128xf32, #tpu.memory_space<vmem>>, vector<1x16xf32>,
      %get3A_280 = vector.shape_cast %get3A_279 : vector<1x16xf32> to vector<16xf32>
      %mul3A_281 = arith.mulf %get3A_276, %get3A_280 : vector<16xf32>
      %add3A_282 = arith.addf %get3A_272, %mul3A_281 : vector<16xf32>
      %swap3A = arith.index_cast %scan3A_269 : i32 to index
      %swap3A_283 = arith.constant 0 : index
      %swap3A_284 = tpu.vector_load %arg18[%swap3A, %swap3A_283] {strides = array<i32>} : memref<80x128xf32, #tpu.memory_space<vmem>>, vector<1x16xf32>,
      %swap3A_285 = vector.shape_cast %swap3A_284 : vector<1x16xf32> to vector<16xf32>
      %swap3A_286 = vector.shape_cast %add3A_282 : vector<16xf32> to vector<1x16xf32>
      tpu.vector_store %arg18[%swap3A, %swap3A_283], %swap3A_286 {strides = array<i32>} : memref<80x128xf32, #tpu.memory_space<vmem>>, vector<1x16xf32>,
      %get3A_287 = arith.index_cast %scan3A_269 : i32 to index
      %get3A_288 = arith.constant 16 : index
      %get3A_289 = tpu.vector_load %arg18[%get3A_287, %get3A_288] {strides = array<i32>} : memref<80x128xf32, #tpu.memory_space<vmem>>, vector<1x16xf32>,
      %get3A_290 = vector.shape_cast %get3A_289 : vector<1x16xf32> to vector<16xf32>
      %get3A_291 = arith.index_cast %scan3A_269 : i32 to index
      %get3A_292 = arith.constant 16 : index
      %get3A_293 = tpu.vector_load %arg19[%get3A_291, %get3A_292] {strides = array<i32>} : memref<80x128xf32, #tpu.memory_space<vmem>>, vector<1x16xf32>,
      %get3A_294 = vector.shape_cast %get3A_293 : vector<1x16xf32> to vector<16xf32>
      %get3A_295 = arith.index_cast %scan3A_269 : i32 to index
      %get3A_296 = arith.constant 16 : index
      %get3A_297 = tpu.vector_load %arg20[%get3A_295, %get3A_296] {strides = array<i32>} : memref<80x128xf32, #tpu.memory_space<vmem>>, vector<1x16xf32>,
      %get3A_298 = vector.shape_cast %get3A_297 : vector<1x16xf32> to vector<16xf32>
      %mul3A_299 = arith.mulf %get3A_294, %get3A_298 : vector<16xf32>
      %add3A_300 = arith.addf %get3A_290, %mul3A_299 : vector<16xf32>
      %swap3A_301 = arith.index_cast %scan3A_269 : i32 to index
      %swap3A_302 = arith.constant 16 : index
      %swap3A_303 = tpu.vector_load %arg18[%swap3A_301, %swap3A_302] {strides = array<i32>} : memref<80x128xf32, #tpu.memory_space<vmem>>, vector<1x16xf32>,
      %swap3A_304 = vector.shape_cast %swap3A_303 : vector<1x16xf32> to vector<16xf32>
      %swap3A_305 = vector.shape_cast %add3A_300 : vector<16xf32> to vector<1x16xf32>
      tpu.vector_store %arg18[%swap3A_301, %swap3A_302], %swap3A_305 {strides = array<i32>} : memref<80x128xf32, #tpu.memory_space<vmem>>, vector<1x16xf32>,
      %get3A_306 = arith.index_cast %scan3A_269 : i32 to index
      %get3A_307 = arith.constant 32 : index
      %get3A_308 = tpu.vector_load %arg18[%get3A_306, %get3A_307] {strides = array<i32>} : memref<80x128xf32, #tpu.memory_space<vmem>>, vector<1x16xf32>,
      %get3A_309 = vector.shape_cast %get3A_308 : vector<1x16xf32> to vector<16xf32>
      %get3A_310 = arith.index_cast %scan3A_269 : i32 to index
      %get3A_311 = arith.constant 32 : index
      %get3A_312 = tpu.vector_load %arg19[%get3A_310, %get3A_311] {strides = array<i32>} : memref<80x128xf32, #tpu.memory_space<vmem>>, vector<1x16xf32>,
      %get3A_313 = vector.shape_cast %get3A_312 : vector<1x16xf32> to vector<16xf32>
      %get3A_314 = arith.index_cast %scan3A_269 : i32 to index
      %get3A_315 = arith.constant 32 : index
      %get3A_316 = tpu.vector_load %arg20[%get3A_314, %get3A_315] {strides = array<i32>} : memref<80x128xf32, #tpu.memory_space<vmem>>, vector<1x16xf32>,
      %get3A_317 = vector.shape_cast %get3A_316 : vector<1x16xf32> to vector<16xf32>
      %mul3A_318 = arith.mulf %get3A_313, %get3A_317 : vector<16xf32>
      %add3A_319 = arith.addf %get3A_309, %mul3A_318 : vector<16xf32>
      %swap3A_320 = arith.index_cast %scan3A_269 : i32 to index
      %swap3A_321 = arith.constant 32 : index
      %swap3A_322 = tpu.vector_load %arg18[%swap3A_320, %swap3A_321] {strides = array<i32>} : memref<80x128xf32, #tpu.memory_space<vmem>>, vector<1x16xf32>,
      %swap3A_323 = vector.shape_cast %swap3A_322 : vector<1x16xf32> to vector<16xf32>
      %swap3A_324 = vector.shape_cast %add3A_319 : vector<16xf32> to vector<1x16xf32>
      tpu.vector_store %arg18[%swap3A_320, %swap3A_321], %swap3A_324 {strides = array<i32>} : memref<80x128xf32, #tpu.memory_space<vmem>>, vector<1x16xf32>,
      %get3A_325 = arith.index_cast %scan3A_269 : i32 to index
      %get3A_326 = arith.constant 48 : index
      %get3A_327 = tpu.vector_load %arg18[%get3A_325, %get3A_326] {strides = array<i32>} : memref<80x128xf32, #tpu.memory_space<vmem>>, vector<1x16xf32>,
      %get3A_328 = vector.shape_cast %get3A_327 : vector<1x16xf32> to vector<16xf32>
      %get3A_329 = arith.index_cast %scan3A_269 : i32 to index
      %get3A_330 = arith.constant 48 : index
      %get3A_331 = tpu.vector_load %arg19[%get3A_329, %get3A_330] {strides = array<i32>} : memref<80x128xf32, #tpu.memory_space<vmem>>, vector<1x16xf32>,
      %get3A_332 = vector.shape_cast %get3A_331 : vector<1x16xf32> to vector<16xf32>
      %get3A_333 = arith.index_cast %scan3A_269 : i32 to index
      %get3A_334 = arith.constant 48 : index
      %get3A_335 = tpu.vector_load %arg20[%get3A_333, %get3A_334] {strides = array<i32>} : memref<80x128xf32, #tpu.memory_space<vmem>>, vector<1x16xf32>,
      %get3A_336 = vector.shape_cast %get3A_335 : vector<1x16xf32> to vector<16xf32>
      %mul3A_337 = arith.mulf %get3A_332, %get3A_336 : vector<16xf32>
      %add3A_338 = arith.addf %get3A_328, %mul3A_337 : vector<16xf32>
      %swap3A_339 = arith.index_cast %scan3A_269 : i32 to index
      %swap3A_340 = arith.constant 48 : index
      %swap3A_341 = tpu.vector_load %arg18[%swap3A_339, %swap3A_340] {strides = array<i32>} : memref<80x128xf32, #tpu.memory_space<vmem>>, vector<1x16xf32>,
      %swap3A_342 = vector.shape_cast %swap3A_341 : vector<1x16xf32> to vector<16xf32>
      %swap3A_343 = vector.shape_cast %add3A_338 : vector<16xf32> to vector<1x16xf32>
      tpu.vector_store %arg18[%swap3A_339, %swap3A_340], %swap3A_343 {strides = array<i32>} : memref<80x128xf32, #tpu.memory_space<vmem>>, vector<1x16xf32>,
      %get3A_344 = arith.index_cast %scan3A_269 : i32 to index
      %get3A_345 = arith.constant 64 : index
      %get3A_346 = tpu.vector_load %arg18[%get3A_344, %get3A_345] {strides = array<i32>} : memref<80x128xf32, #tpu.memory_space<vmem>>, vector<1x16xf32>,
      %get3A_347 = vector.shape_cast %get3A_346 : vector<1x16xf32> to vector<16xf32>
      %get3A_348 = arith.index_cast %scan3A_269 : i32 to index
      %get3A_349 = arith.constant 64 : index
      %get3A_350 = tpu.vector_load %arg19[%get3A_348, %get3A_349] {strides = array<i32>} : memref<80x128xf32, #tpu.memory_space<vmem>>, vector<1x16xf32>,
      %get3A_351 = vector.shape_cast %get3A_350 : vector<1x16xf32> to vector<16xf32>
      %get3A_352 = arith.index_cast %scan3A_269 : i32 to index
      %get3A_353 = arith.constant 64 : index
      %get3A_354 = tpu.vector_load %arg20[%get3A_352, %get3A_353] {strides = array<i32>} : memref<80x128xf32, #tpu.memory_space<vmem>>, vector<1x16xf32>,
      %get3A_355 = vector.shape_cast %get3A_354 : vector<1x16xf32> to vector<16xf32>
      %mul3A_356 = arith.mulf %get3A_351, %get3A_355 : vector<16xf32>
      %add3A_357 = arith.addf %get3A_347, %mul3A_356 : vector<16xf32>
      %swap3A_358 = arith.index_cast %scan3A_269 : i32 to index
      %swap3A_359 = arith.constant 64 : index
      %swap3A_360 = tpu.vector_load %arg18[%swap3A_358, %swap3A_359] {strides = array<i32>} : memref<80x128xf32, #tpu.memory_space<vmem>>, vector<1x16xf32>,
      %swap3A_361 = vector.shape_cast %swap3A_360 : vector<1x16xf32> to vector<16xf32>
      %swap3A_362 = vector.shape_cast %add3A_357 : vector<16xf32> to vector<1x16xf32>
      tpu.vector_store %arg18[%swap3A_358, %swap3A_359], %swap3A_362 {strides = array<i32>} : memref<80x128xf32, #tpu.memory_space<vmem>>, vector<1x16xf32>,
      %get3A_363 = arith.index_cast %scan3A_269 : i32 to index
      %get3A_364 = arith.constant 80 : index
      %get3A_365 = tpu.vector_load %arg18[%get3A_363, %get3A_364] {strides = array<i32>} : memref<80x128xf32, #tpu.memory_space<vmem>>, vector<1x16xf32>,
      %get3A_366 = vector.shape_cast %get3A_365 : vector<1x16xf32> to vector<16xf32>
      %get3A_367 = arith.index_cast %scan3A_269 : i32 to index
      %get3A_368 = arith.constant 80 : index
      %get3A_369 = tpu.vector_load %arg19[%get3A_367, %get3A_368] {strides = array<i32>} : memref<80x128xf32, #tpu.memory_space<vmem>>, vector<1x16xf32>,
      %get3A_370 = vector.shape_cast %get3A_369 : vector<1x16xf32> to vector<16xf32>
      %get3A_371 = arith.index_cast %scan3A_269 : i32 to index
      %get3A_372 = arith.constant 80 : index
      %get3A_373 = tpu.vector_load %arg20[%get3A_371, %get3A_372] {strides = array<i32>} : memref<80x128xf32, #tpu.memory_space<vmem>>, vector<1x16xf32>,
      %get3A_374 = vector.shape_cast %get3A_373 : vector<1x16xf32> to vector<16xf32>
      %mul3A_375 = arith.mulf %get3A_370, %get3A_374 : vector<16xf32>
      %add3A_376 = arith.addf %get3A_366, %mul3A_375 : vector<16xf32>
      %swap3A_377 = arith.index_cast %scan3A_269 : i32 to index
      %swap3A_378 = arith.constant 80 : index
      %swap3A_379 = tpu.vector_load %arg18[%swap3A_377, %swap3A_378] {strides = array<i32>} : memref<80x128xf32, #tpu.memory_space<vmem>>, vector<1x16xf32>,
      %swap3A_380 = vector.shape_cast %swap3A_379 : vector<1x16xf32> to vector<16xf32>
      %swap3A_381 = vector.shape_cast %add3A_376 : vector<16xf32> to vector<1x16xf32>
      tpu.vector_store %arg18[%swap3A_377, %swap3A_378], %swap3A_381 {strides = array<i32>} : memref<80x128xf32, #tpu.memory_space<vmem>>, vector<1x16xf32>,
      %get3A_382 = arith.index_cast %scan3A_269 : i32 to index
      %get3A_383 = arith.constant 96 : index
      %get3A_384 = tpu.vector_load %arg18[%get3A_382, %get3A_383] {strides = array<i32>} : memref<80x128xf32, #tpu.memory_space<vmem>>, vector<1x16xf32>,
      %get3A_385 = vector.shape_cast %get3A_384 : vector<1x16xf32> to vector<16xf32>
      %get3A_386 = arith.index_cast %scan3A_269 : i32 to index
      %get3A_387 = arith.constant 96 : index
      %get3A_388 = tpu.vector_load %arg19[%get3A_386, %get3A_387] {strides = array<i32>} : memref<80x128xf32, #tpu.memory_space<vmem>>, vector<1x16xf32>,
      %get3A_389 = vector.shape_cast %get3A_388 : vector<1x16xf32> to vector<16xf32>
      %get3A_390 = arith.index_cast %scan3A_269 : i32 to index
      %get3A_391 = arith.constant 96 : index
      %get3A_392 = tpu.vector_load %arg20[%get3A_390, %get3A_391] {strides = array<i32>} : memref<80x128xf32, #tpu.memory_space<vmem>>, vector<1x16xf32>,
      %get3A_393 = vector.shape_cast %get3A_392 : vector<1x16xf32> to vector<16xf32>
      %mul3A_394 = arith.mulf %get3A_389, %get3A_393 : vector<16xf32>
      %add3A_395 = arith.addf %get3A_385, %mul3A_394 : vector<16xf32>
      %swap3A_396 = arith.index_cast %scan3A_269 : i32 to index
      %swap3A_397 = arith.constant 96 : index
      %swap3A_398 = tpu.vector_load %arg18[%swap3A_396, %swap3A_397] {strides = array<i32>} : memref<80x128xf32, #tpu.memory_space<vmem>>, vector<1x16xf32>,
      %swap3A_399 = vector.shape_cast %swap3A_398 : vector<1x16xf32> to vector<16xf32>
      %swap3A_400 = vector.shape_cast %add3A_395 : vector<16xf32> to vector<1x16xf32>
      tpu.vector_store %arg18[%swap3A_396, %swap3A_397], %swap3A_400 {strides = array<i32>} : memref<80x128xf32, #tpu.memory_space<vmem>>, vector<1x16xf32>,
      %get3A_401 = arith.index_cast %scan3A_269 : i32 to index
      %get3A_402 = arith.constant 112 : index
      %get3A_403 = tpu.vector_load %arg18[%get3A_401, %get3A_402] {strides = array<i32>} : memref<80x128xf32, #tpu.memory_space<vmem>>, vector<1x16xf32>,
      %get3A_404 = vector.shape_cast %get3A_403 : vector<1x16xf32> to vector<16xf32>
      %get3A_405 = arith.index_cast %scan3A_269 : i32 to index
      %get3A_406 = arith.constant 112 : index
      %get3A_407 = tpu.vector_load %arg19[%get3A_405, %get3A_406] {strides = array<i32>} : memref<80x128xf32, #tpu.memory_space<vmem>>, vector<1x16xf32>,
      %get3A_408 = vector.shape_cast %get3A_407 : vector<1x16xf32> to vector<16xf32>
      %get3A_409 = arith.index_cast %scan3A_269 : i32 to index
      %get3A_410 = arith.constant 112 : index
      %get3A_411 = tpu.vector_load %arg20[%get3A_409, %get3A_410] {strides = array<i32>} : memref<80x128xf32, #tpu.memory_space<vmem>>, vector<1x16xf32>,
      %get3A_412 = vector.shape_cast %get3A_411 : vector<1x16xf32> to vector<16xf32>
      %mul3A_413 = arith.mulf %get3A_408, %get3A_412 : vector<16xf32>
      %add3A_414 = arith.addf %get3A_404, %mul3A_413 : vector<16xf32>
      %swap3A_415 = arith.index_cast %scan3A_269 : i32 to index
      %swap3A_416 = arith.constant 112 : index
      %swap3A_417 = tpu.vector_load %arg18[%swap3A_415, %swap3A_416] {strides = array<i32>} : memref<80x128xf32, #tpu.memory_space<vmem>>, vector<1x16xf32>,
      %swap3A_418 = vector.shape_cast %swap3A_417 : vector<1x16xf32> to vector<16xf32>
      %swap3A_419 = vector.shape_cast %add3A_414 : vector<16xf32> to vector<1x16xf32>
      tpu.vector_store %arg18[%swap3A_415, %swap3A_416], %swap3A_419 {strides = array<i32>} : memref<80x128xf32, #tpu.memory_space<vmem>>, vector<1x16xf32>,
    }
    %scan3A_254 = arith.constant 80 : i32
    %dma_start3A_255 = arith.constant 1 : i32
    %dma_start3A_256 = arith.constant 0 : i32
    %dma_start3A_257 = tpu.memref_slice %arg17[%dma_start3A_255, %dma_start3A_256] : memref<2x80xi32, #tpu.memory_space<vmem>> -> memref<1x80xi32, #tpu.memory_space<vmem>>
    %dma_start3A_258 = tpu.memref_squeeze %dma_start3A_257 : memref<1x80xi32, #tpu.memory_space<vmem>> -> memref<80xi32, #tpu.memory_space<vmem>>
    %dma_start3A_259 = arith.constant 0 : i32
    %dma_start3A_260 = arith.constant 0 : i32
    %dma_start3A_261 = tpu.memref_slice %arg9[%dma_start3A_259, %dma_start3A_260] : memref<204800x128xf32, #tpu.memory_space<hbm>> -> memref<204800x128xf32, #tpu.memory_space<hbm>>
    tpu.enqueue_indirect_dma source(%arg18 : memref<80x128xf32, #tpu.memory_space<vmem>>) target(%dma_start3A_261 : memref<204800x128xf32, #tpu.memory_space<hbm>>) offsets(%dma_start3A_258 : memref<80xi32, #tpu.memory_space<vmem>>) semaphore(%arg31 : memref<!tpu.dma_semaphore, #tpu.memory_space<semaphore_mem>>)
    %dma_wait3A_262 = arith.constant 1 : i32
    %dma_wait3A_263 = arith.constant 0 : i32
    %dma_wait3A_264 = tpu.memref_slice %arg17[%dma_wait3A_262, %dma_wait3A_263] : memref<2x80xi32, #tpu.memory_space<vmem>> -> memref<1x80xi32, #tpu.memory_space<vmem>>
    %dma_wait3A_265 = tpu.memref_squeeze %dma_wait3A_264 : memref<1x80xi32, #tpu.memory_space<vmem>> -> memref<80xi32, #tpu.memory_space<vmem>>
    %dma_wait3A_266 = arith.constant 0 : i32
    %dma_wait3A_267 = arith.constant 0 : i32
    %dma_wait3A_268 = tpu.memref_slice %arg9[%dma_wait3A_266, %dma_wait3A_267] : memref<204800x128xf32, #tpu.memory_space<hbm>> -> memref<204800x128xf32, #tpu.memory_space<hbm>>
    tpu.wait_indirect_dma semaphore(%arg31 : memref<!tpu.dma_semaphore, #tpu.memory_space<semaphore_mem>>) src(%arg18 : memref<80x128xf32, #tpu.memory_space<vmem>>) dst(%dma_wait3A_268 : memref<204800x128xf32, #tpu.memory_space<hbm>>)
    return
  }
}

</mosaic_0001>

<sc_bundles>
// kernel: kernel.3.cloned.1.call-start
scs
__scs_entry_jumppad:
0x0: {  	(pc) =	sbr.rel $0x88, $3  }
0x1: {  	(tag) =	ssettag $0x0;
	lr =	simm.s32 $0x1  }
0x2: {  	[smem:$0x3F9D] =	sst lr;
	_ =	strace $0xD0000000  }
0x3: {  	_ = 	snop  }
0x4: {  	_ = 	snop  }
0x5: {  	_ = 	snop  }
0x6: {  	_ = 	snop  }
0x7: {  	_ = 	snop  }
__scs_overlays_trampoline_lowered:
0x8: {  	[smem:$0x3FAC] =	sst s0  }
0x9: {  	[smem:$0x3FAD] =	sst s1  }
0xa: {  	[smem:$0x3FAE] =	sst s2  }
0xb: {  	[smem:$0x3FAF] =	sst s3  }
0xc: {  	[smem:$0x3FB0] =	sst s4  }
0xd: {  	[smem:$0x3FB1] =	sst s5  }
0xe: {  	[smem:$0x3FB2] =	sst s6  }
0xf: {  	[smem:$0x3FB3] =	sst s7  }
0x10: {  	[smem:$0x3FB4] =	sst s8  }
0x11: {  	[smem:$0x3FB5] =	sst s9;
	s0 =	simm.s32 @!p0 $0x0  }
0x12: {  	s1 =	sld [smem:$0x3F9B];
	s0 =	simm.s32 @p0 $0x1  }
0x13: {  	[smem:$0x3FB6] =	sst s0;
	s0 =	simm.s32 @!p1 $0x0  }
0x14: {  	s2 =	sld [smem:$0x3F9A];
	s0 =	simm.s32 @p1 $0x1  }
0x15: {  	[smem:$0x3FB7] =	sst s0;
	s0 =	simm.s32 @!p2 $0x0  }
0x16: {  	s3 =	sld [smem:$0x3FDB];
	s0 =	simm.s32 @p2 $0x1  }
0x17: {  	s4 =	simm.s32 $0x1BF5;
	[smem:$0x3FB9] =	sst s0  }
0x18: {  	s0 =	sld [smem:$0x3F9C];
	_ =	swait.ge [sflag:s4], $0x0  }
0x19: {  	s7 =	sld [smem:$0x3F9D]  }
0x1a: {  	s8 =	sadd.s32 $0xFFFFE003, lr  }
0x1b: {  	s9 =	sadd.s32 $0xFFFFFEF7, lr;
	s5 =	simm.s32 $0xFFFFFFFF;
	p2 =	slt.u32 s8, $0xFFFFF086  }
0x1c: {  	p1 =	slt.u32 s9, $0xF7A;
	s5 =	simm.s32 @!p2 $0x0  }
0x1d: {  	s5 =	simm.s32 @p1 $0x1;
	p0 =	seq.s32 s7, s2  }
0x1e: {  	s7 =	smul.u32 @!p0 $0xF7A, s2;
	p2 =	seq.s32 @!p0 s5, $0x0  }
0x1f: {  	s9 =	smul.u32 $0xF7A, s1;
	s8 =	simm.s32 @!p0 $0x1BF5;
	p2 =	por !p2, p0  }
0x20: {  	[sflag:s8] =	ssyncset.s32 @!p0 $0xFFFFF086;
	s6 =	sadd.s32 @!p0 s3, s7;
	s7 =	simm.s32 @!p0 $0x108  }
0x21: {  	s3 =	sadd.s32 s3, s9;
	s6 =	sadd.s32 @!p0 $0x88, s6;
	s7 =	simm.s32 @p2 $0x1082  }
0x22: {  	[simem:s7], [sflag:s8] =	dma.local @!p0 [hbm:s6], $0xF7A  }
0x23: {  	s9 =	sor.u32 $0xD0000000, s2;
	s6 =	simm.s32 $0x108;
	_ =	swait.ge @!p0 [sflag:s8], $0x0  }
0x24: {  	s3 =	sadd.s32 $0x88, s3;
	s6 =	simm.s32 @!p1 $0x1082;
	[sflag:s4] =	ssyncset.s32 $0xFFFFF086  }
0x25: {  	[simem:s6], [sflag:s4] =	dma.local [hbm:s3], $0xF7A  }
0x26: {  	[smem:$0x3F9D] =	sst s1;
	(tag) =	ssettag s2;
	_ =	strace s9  }
0x27: {  	s1 =	sld [smem:$0x3FAD]  }
0x28: {  	s2 =	sld [smem:$0x3FAE]  }
0x29: {  	s4 =	sld [smem:$0x3FB0]  }
0x2a: {  	p0 =	seq.s32 s5, $0x0;
	s5 =	sld [smem:$0x3FB1]  }
0x2b: {  	s6 =	sld [smem:$0x3FB2]  }
0x2c: {  	s7 =	sld [smem:$0x3FB3]  }
0x2d: {  	s3 =	simm.s32 $0x108;
	s8 =	sld [smem:$0x3FB4]  }
0x2e: {  	s3 =	simm.s32 @!p0 $0x1082;
	s9 =	sld [smem:$0x3FB5]  }
0x2f: {  	lr =	sadd.s32 s0, s3;
	s0 =	sld [smem:$0x3FAC]  }
0x30: {  	s3 =	sld [smem:$0x3FAF]  }
0x31: {  	[smem:$0x3FB8] =	sst s10  }
0x32: {  	s10 =	sld [smem:$0x3FB6];
	_ =	sdelay $0x3  }
0x33: {  	p0 =	seq.s32 s10, $0x1;
	s10 =	sld [smem:$0x3FB8];
	_ =	sdelay $0x3  }
0x34: {  	[smem:$0x3FB8] =	sst s10  }
0x35: {  	s10 =	sld [smem:$0x3FB7];
	_ =	sdelay $0x3  }
0x36: {  	p1 =	seq.s32 s10, $0x1;
	s10 =	sld [smem:$0x3FB8];
	_ =	sdelay $0x3  }
0x37: {  	[smem:$0x3FB8] =	sst s10  }
0x38: {  	s10 =	sld [smem:$0x3FB9]  }
0x39: {  	_ = 	snop;
	(pc) =	sbr.ind lr, $3  }
0x3a: {  	_ = 	snop  }
0x3b: {  	_ = 	snop  }
0x3c: {  	p2 =	seq.s32 s10, $0x1;
	s10 =	sld [smem:$0x3FB8]  }
0x3d: {  	_ =	shalt  }
0x3e: {  	_ =	shalt  }
0x3f: {  	_ =	shalt  }
0x40: {  	_ =	shalt  }
0x41: {  	_ =	shalt  }
0x42: {  	_ =	shalt  }
0x43: {  	_ =	shalt  }
0x44: {  	_ =	shalt  }
0x45: {  	_ =	shalt  }
0x46: {  	_ =	shalt  }
0x47: {  	_ =	shalt  }
0x48: {  	_ =	shalt  }
0x49: {  	_ =	shalt  }
0x4a: {  	_ =	shalt  }
0x4b: {  	_ =	shalt  }
0x4c: {  	_ =	shalt  }
0x4d: {  	_ =	shalt  }
0x4e: {  	_ =	shalt  }
0x4f: {  	_ =	shalt  }
0x50: {  	_ =	shalt  }
0x51: {  	_ =	shalt  }
0x52: {  	_ =	shalt  }
0x53: {  	_ =	shalt  }
0x54: {  	_ =	shalt  }
0x55: {  	_ =	shalt  }
0x56: {  	_ =	shalt  }
0x57: {  	_ =	shalt  }
0x58: {  	_ =	shalt  }
0x59: {  	_ =	shalt  }
0x5a: {  	_ =	shalt  }
0x5b: {  	_ =	shalt  }
0x5c: {  	_ =	shalt  }
0x5d: {  	_ =	shalt  }
0x5e: {  	_ =	shalt  }
0x5f: {  	_ =	shalt  }
0x60: {  	_ =	shalt  }
0x61: {  	_ =	shalt  }
0x62: {  	_ =	shalt  }
0x63: {  	_ =	shalt  }
0x64: {  	_ =	shalt  }
0x65: {  	_ =	shalt  }
0x66: {  	_ =	shalt  }
0x67: {  	_ =	shalt  }
0x68: {  	_ =	shalt  }
0x69: {  	_ =	shalt  }
0x6a: {  	_ =	shalt  }
0x6b: {  	_ =	shalt  }
0x6c: {  	_ =	shalt  }
0x6d: {  	_ =	shalt  }
0x6e: {  	_ =	shalt  }
0x6f: {  	_ =	shalt  }
0x70: {  	_ =	shalt  }
0x71: {  	_ =	shalt  }
0x72: {  	_ =	shalt  }
0x73: {  	_ =	shalt  }
0x74: {  	_ =	shalt  }
0x75: {  	_ =	shalt  }
0x76: {  	_ =	shalt  }
0x77: {  	_ =	shalt  }
0x78: {  	_ =	shalt  }
0x79: {  	_ =	shalt  }
0x7a: {  	_ =	shalt  }
0x7b: {  	_ =	shalt  }
0x7c: {  	_ =	shalt  }
0x7d: {  	_ =	shalt  }
0x7e: {  	_ =	shalt  }
0x7f: {  	_ =	shalt  }
0x80: {  	_ =	shalt  }
0x81: {  	_ =	shalt  }
0x82: {  	_ =	shalt  }
0x83: {  	_ =	shalt  }
0x84: {  	_ =	shalt  }
0x85: {  	_ =	shalt  }
0x86: {  	_ =	shalt  }
0x87: {  	_ =	shalt  }
.Lfunc_end0:
.L_simem_size_0:
called_computation_lowered:
.L_overlay_start_0:
0x88: {  	s2 =	sld [smem:$0x3FD9]  }
0x89: {  	s3 =	sld [smem:$0x3FFE];
	_ =	sdelay $0x1  }
0x8a: {  	s1 =	srdreg.scid  }
0x8b: {  	s0 =	sand.u32 $0x1, s1  }
0x8c: {  	s17 =	sshll.u32 s0, $0xA;
	s2 =	sadd.s32 s3, s2  }
0x8d: {  	s2 =	sadd.s32 s2, s17  }
0x8e: {  	[smem:$0x3FC4] =	sst s2  }
0x8f: {  	_ = 	snop  }
0x90: {  	s2 =	sld [smem:$0x3FC8]  }
0x91: {  	s18 =	sld [smem:$0x3FD0];
	(tm) =	ssettm $0x1  }
0x92: {  	s4 =	sld [smem:$0x3FFB];
	_ =	sdelay $0x3  }
0x93: {  	_ =	strace s4  }
0x94: {  	s4 =	sld [smem:$0x3FFC];
	_ =	sdelay $0x3  }
0x95: {  	_ =	strace s4  }
0x96: {  	s4 =	sld [smem:$0x3FFD];
	_ =	sdelay $0x3  }
0x97: {  	_ =	strace s4  }
0x98: {  	_ =	strace $0x8FFFFFFF  }
0x99: {  	s19 =	sld [smem:$0x3FDB];
	_ =	sdelay $0x1  }
0x9a: {  	s5 =	simm.s32 $_scs_section_size  }
0x9b: {  	s6 =	simm.s32 $_size__tile_overlayer_lowered;
	s7 =	simm.s32 $_tile_overlayer_lowered  }
0x9c: {  	s22 =	simm.s32 $0x1BFF;
	s21 =	sshll.u32 s7, $0x1;
	s4 =	sadd.s32 s5, s19  }
0x9d: {  	s8 =	simm.s32 $0x0;
	s20 =	sshll.u32 s6, $0x1;
	s6 =	sadd.s32 s21, s4  }
0x9e: {  	[timem:s8], [sflag:s22] =	dma.local [hbm:s6], s20  }
0x9f: {  	_ =	swait.ge [sflag:s22], s20  }
0xa0: {  	s5 =	ssub.s32 $0x0, s20;
	[sflag:s22] =	ssyncset.done $0x0  }
0xa1: {  	[sflag:s22] =	ssyncadd.s32 s5;
	_ =	sdelay $0x1  }
0xa2: {  	s23 =	simm.s32 $0x1B8B  }
0xa3: {  	_ =	swait.ge [sflag:s23], $0x1  }
0xa4: {  	[sflag:s23] =	ssyncset.done $0x0  }
0xa5: {  	s25 =	simm.s32 $0x1B8E;
	s24 =	sld [smem:$0x3FFE];
	[sflag:s23] =	ssyncadd.s32 $0xFFFFFFFF  }
0xa6: {  	s26 =	simm.s32 $execute0_lowered;
	[smem:$0x3FD2] =	sst s25  }
0xa7: {  	s6 =	sshll.u32 s26, $0x1;
	_ =	strace $0x80000046;
	[dreg:$0x1] =	wrdreg $0xFFFFFFFF  }
0xa8: {  	s28 =	simm.s32 $_size_execute0_lowered;
	s4 =	sadd.s32 s4, s6;
	[dreg:$0x0] =	wrdreg $0x0  }
0xa9: {  	s6 =	sshll.u32 s28, $0x1;
	[dreg:$0x2] =	wrdreg s4  }
0xaa: {  	[dreg:$0x3] =	wrdreg s6  }
0xab: {  	[dreg:$0x4] =	wrdreg $0xC0  }
0xac: {  	_ =	task [dreg:s8], $0x5FFFF  }
0xad: {  	[dreg:$0x1] =	wrdreg $0xFFFFFFFF  }
0xae: {  	[dreg:$0x0] =	wrdreg $0x60  }
0xaf: {  	[dreg:$0x2] =	wrdreg s24  }
0xb0: {  	[dreg:$0x3] =	wrdreg s2  }
0xb1: {  	[dreg:$0x4] =	wrdreg s18  }
0xb2: {  	[dreg:$0x5] =	wrdreg $0x9  }
0xb3: {  	_ =	task.clear_ibuf [dreg:s8], $0x6FFFF;
	_ =	strace $0x90000046  }
0xb4: {  	s29 =	simm.s32 $0x9;
	_ =	strace $0x80000048  }
0xb5: {  	_ =	swait.ge [sflag:s29], $0x1  }
0xb6: {  	[sflag:s29] =	ssyncadd.s32 $0xFFFFFFFF  }
0xb7: {  	_ =	strace $0x90000048  }
0xb8: {  	_ =	sfence  }
0xb9: {  	s30 =	sld [smem:$0x0];
	_ =	sdelay $0x2  }
0xba: {  	s31 =	sshll.u32 s1, $0xD;
	s1 =	sshrl.u32 s1, $0x2  }
0xbb: {  	s3 =	sand.u32 $0x4000, s31;
	s1 =	sadd.s32 s1, s30  }
0xbc: {  	s0 =	sor.u32 s3, s0;
	s1 =	sshll.u32 s1, $0x11  }
0xbd: {  	s0 =	sor.u32 s1, s0  }
0xbe: {  	s0 =	sadd.s32 $0x8F2B, s0  }
0xbf: {  	[sflag:s0] =	ssyncadd.remote.s32 $0x1  }
0xc0: {  	_ =	sfence.sel $0xFFFF  }
0xc1: {  	[dreg:$0x0] =	wrdreg $0xFFFFFFFF;
	(pc) =	sbr.abs _section_cstart, $3  }
0xc2: {  	[dreg:$0x1] =	wrdreg $0xFFFFFFFF  }
0xc3: {  	_ =	task.clear_ibuf [dreg:s8], $0x2FFFF;
	_ =	strace $0x9FFFFFFF  }
0xc4: {  	(tm) =	ssettm $0x7FFFFFFF  }
0xc5: {  	_ =	shalt  }
tec
execute0_lowered:
.L_overlay_start_1:
0x0: {  	(tag) =	ssettag $0x1  }
0x1: {  	s0 =	rddreg [dreg:$0x0]  }
0x2: {  	s1 =	srdreg.scid;
	s2 =	rddreg [dreg:$0x1]  }
0x3: {  	s12 =	stileid.u32;
	s6 =	rddreg [dreg:$0x2];
	s4 =	simm.s32 $0x0  }
0x4: {  	s28 =	simm.s32 $0x11C00;
	s29 =	simm.s32 $0x1;
	s30 =	simm.s32 $0x2  }
0x5: {  	s31 =	simm.s32 $0x3;
	s1 =	sand.u32 $0x1, s1;
	s3 =	sshll.u32 s12, $0x1  }
0x6: {  	[smem:$0x7FF] =	sst s4;
	s16 =	sadd.s32 $0x7600, s0;
	s7 =	sadd.s32 $0x1B000, s0  }
0x7: {  	s13 =	sadd.s32 $0x2F200, s0;
	s19 =	smul.u32 $0x32000, s12;
	s12 =	simm.s32 $0x15E00  }
0x8: {  	s3 =	sor.u32 s1, s3;
	s9 =	ssub.s32 $0x2, s1;
	s1 =	smul.u32 $0x19000, s1  }
0x9: {  	_ =	strace $0x80000047;
	[dreg:$0x4] =	wrdreg s13;
	s5 =	smul.u32 $0x380, s3  }
0xa: {  	s10 =	smul.u32 $0xC8000, s3;
	s3 =	sshll.u32 s3, $0x5;
	s11 =	sshrl.u32 s9, $0x1  }
0xb: {  	s14 =	ssub.s32 s9, s11;
	s9 =	sadd.s32 s19, s6;
	s19 =	simm.s32 $0x80  }
0xc: {  	s11 =	simm.s32 $0x50;
	s8 =	sadd.s32 s5, s0;
	s0 =	sadd.s32 s3, s0  }
0xd: {  	s15 =	sshrl.u32 s10, $0x3;
	s1 =	sadd.s32 s1, s9;
	s26 =	smax.u32 s14, $0x1  }
0xe: {  	s3 =	simm.s32 $0x9;
	s10 =	simm.s32 $0x0;
	s17 =	sadd.s32 $0x600, s8  }
0xf: {  	s18 =	sadd.s32 s6, s15;
	s25 =	sadd.s32 $0x2EE00, s0;
	[dreg:$0xd] =	wrdreg s26  }
0x10: {  	s0 =	sadd.s32 $0x2EA00, s0;
	s26 =	simm.s32 $0x8;
	[dreg:$0x5] =	wrdreg s17  }
0x11: {  	s8 =	simm.s32 $0xA;
	s15 =	simm.s32 $0xB;
	[dreg:$0xb] =	wrdreg s25  }
0x12: {  	s20 =	sadd.s32 $0x16800, s18;
	s21 =	sadd.s32 $0x17000, s18;
	[dreg:$0xc] =	wrdreg s0  }
0x13: {  	s22 =	sadd.s32 $0x17800, s18;
	s23 =	sadd.s32 $0x18000, s18;
	[dreg:$0x6] =	wrdreg s20  }
0x14: {  	s24 =	sadd.s32 $0x18800, s18;
	s17 =	sadd.s32 $0x2000, s1;
	[dreg:$0x7] =	wrdreg s21  }
0x15: {  	s18 =	simm.s32 $0xC;
	s25 =	simm.s32 $0xDC00;
	[dreg:$0x8] =	wrdreg s22  }
0x16: {  	s1 =	simm.s32 $0x4;
	s0 =	simm.s32 $0x5;
	[dreg:$0x9] =	wrdreg s23  }
0x17: {  	[dreg:$0xa] =	wrdreg s24;
	s20 =	simm.s32 $0x1C00;
	s21 =	simm.s32 $0x5C00  }
0x18: {  	s23 =	simm.s32 $0x9C00;
	s22 =	simm.s32 $0x6;
	s24 =	simm.s32 $0x7  }
.LBB2_1:
0x19: {  	s5 =	rddreg [dreg:$0x5]  }
0x1a: {  	[tilespmem:s4], [sflag:$0xC] =	stream.linear.gather [hbm4b:s5+s4], $0x1900, $0x38;
	[tilespmem:$0x1D600] =	vst v63  }
0x1b: {  	_ =	swait.ge [sflag:s18], $0x1900  }
0x1c: {  	[sflag:s18] =	ssyncset.done $0x0  }
0x1d: {  	[sflag:s18] =	ssyncadd.s32 $0xFFFFE700  }
0x1e: {  	[tilespmem:s20], [sflag:$0x1] =	stream.indirect.gather [hbm4b:s2+s19], $0x80, s4, s19, $0xb8;
	[tilespmem:$0x1D600] =	vst v63  }
0x1f: {  	_ = 	snop  }
0x20: {  	[tilespmem:s21], [sflag:$0x2] =	stream.indirect.gather [hbm4b:s2+s19], $0x80, s19, s19, $0xb8;
	[tilespmem:$0x1D600] =	vst v63  }
0x21: {  	s9 =	smov.u32 s7;
	s7 =	smov.u32 s16;
	s16 =	simm.s32 $0x100  }
0x22: {  	[tilespmem:s23], [sflag:$0x3] =	stream.indirect.gather [hbm4b:s2+s19], $0x80, s16, s19, $0xb8;
	[tilespmem:$0x1D600] =	vst v63  }
0x23: {  	s13 =	simm.s32 $0x180  }
0x24: {  	[tilespmem:s25], [sflag:$0x4] =	stream.indirect.gather [hbm4b:s2+s19], $0x80, s13, s19, $0xb8;
	[tilespmem:$0x1D600] =	vst v63  }
0x25: {  	s14 =	simm.s32 $0x200  }
0x26: {  	[tilespmem:s28], [sflag:$0x5] =	stream.indirect.gather [hbm4b:s2+s19], $0x80, s14, s19, $0xb8;
	[tilespmem:$0x1D600] =	vst v63  }
0x27: {  	_ =	swait.ge [sflag:s29], $0x4000  }
0x28: {  	[sflag:s29] =	ssyncset.done $0x0  }
0x29: {  	s13 =	sadd.s32 $0xFFFFE000, s17;
	[sflag:s29] =	ssyncadd.s32 $0xFFFFC000  }
0x2a: {  	[hbm4b:s13+s4] =	stream.linear.scatter [tilespmem:s20], [sflag:$0x6], $0x4000, $0x38;
	[tilespmem:$0x1D600] =	vst v63  }
0x2b: {  	_ =	swait.ge [sflag:s30], $0x4000  }
0x2c: {  	[sflag:s30] =	ssyncset.done $0x0  }
0x2d: {  	s16 =	sadd.s32 $0xFFFFE800, s17;
	[sflag:s30] =	ssyncadd.s32 $0xFFFFC000  }
0x2e: {  	[hbm4b:s16+s4] =	stream.linear.scatter [tilespmem:s21], [sflag:$0x7], $0x4000, $0x38;
	[tilespmem:$0x1D600] =	vst v63  }
0x2f: {  	_ =	swait.ge [sflag:s31], $0x4000  }
0x30: {  	[sflag:s31] =	ssyncset.done $0x0  }
0x31: {  	s5 =	sadd.s32 $0xFFFFF000, s17;
	[sflag:s31] =	ssyncadd.s32 $0xFFFFC000  }
0x32: {  	[hbm4b:s5+s4] =	stream.linear.scatter [tilespmem:s23], [sflag:$0x8], $0x4000, $0x38;
	[tilespmem:$0x1D600] =	vst v63  }
0x33: {  	_ =	swait.ge [sflag:s1], $0x4000  }
0x34: {  	[sflag:s1] =	ssyncset.done $0x0  }
0x35: {  	s14 =	sadd.s32 $0xFFFFF800, s17;
	[sflag:s1] =	ssyncadd.s32 $0xFFFFC000  }
0x36: {  	[hbm4b:s14+s4] =	stream.linear.scatter [tilespmem:s25], [sflag:$0x9], $0x4000, $0x38;
	[tilespmem:$0x1D600] =	vst v63  }
0x37: {  	_ =	swait.ge [sflag:s0], $0x4000  }
0x38: {  	[sflag:s0] =	ssyncset.done $0x0  }
0x39: {  	[sflag:s0] =	ssyncadd.s32 $0xFFFFC000  }
0x3a: {  	[hbm4b:s17+s4] =	stream.linear.scatter [tilespmem:s28], [sflag:$0xA], $0x4000, $0x38;
	[tilespmem:$0x1D600] =	vst v63  }
0x3b: {  	_ =	swait.ge [sflag:s22], $0x4000  }
0x3c: {  	[sflag:s22] =	ssyncset.done $0x0  }
0x3d: {  	s16 =	simm.s32 $0x280;
	[sflag:s22] =	ssyncadd.s32 $0xFFFFC000  }
0x3e: {  	[tilespmem:s20], [sflag:$0x1] =	stream.indirect.gather [hbm4b:s2+s19], $0x80, s16, s19, $0xb8;
	[tilespmem:$0x1D600] =	vst v63  }
0x3f: {  	_ =	swait.ge [sflag:s24], $0x4000  }
0x40: {  	[sflag:s24] =	ssyncset.done $0x0  }
0x41: {  	s5 =	simm.s32 $0x300;
	[sflag:s24] =	ssyncadd.s32 $0xFFFFC000  }
0x42: {  	[tilespmem:s21], [sflag:$0x2] =	stream.indirect.gather [hbm4b:s2+s19], $0x80, s5, s19, $0xb8;
	[tilespmem:$0x1D600] =	vst v63  }
0x43: {  	_ =	swait.ge [sflag:s26], $0x4000  }
0x44: {  	[sflag:s26] =	ssyncset.done $0x0  }
0x45: {  	s14 =	simm.s32 $0x380;
	[sflag:s26] =	ssyncadd.s32 $0xFFFFC000  }
0x46: {  	[tilespmem:s23], [sflag:$0x3] =	stream.indirect.gather [hbm4b:s2+s19], $0x80, s14, s19, $0xb8;
	[tilespmem:$0x1D600] =	vst v63  }
0x47: {  	_ =	swait.ge [sflag:s3], $0x4000  }
0x48: {  	[sflag:s3] =	ssyncset.done $0x0  }
0x49: {  	s16 =	simm.s32 $0x400;
	[sflag:s3] =	ssyncadd.s32 $0xFFFFC000  }
0x4a: {  	[tilespmem:s25], [sflag:$0x4] =	stream.indirect.gather [hbm4b:s2+s19], $0x80, s16, s19, $0xb8;
	[tilespmem:$0x1D600] =	vst v63  }
0x4b: {  	_ =	swait.ge [sflag:s8], $0x4000  }
0x4c: {  	s13 =	simm.s32 $0xA00;
	[sflag:s8] =	ssyncset.done $0x0  }
0x4d: {  	s14 =	sadd.s32 $0x2800, s17;
	s16 =	simm.s32 $0x480;
	[sflag:s8] =	ssyncadd.s32 $0xFFFFC000  }
.LBB2_2:
0x4e: {  	[tilespmem:s28], [sflag:$0x5] =	stream.indirect.gather [hbm4b:s2+s19], $0x80, s16, s19, $0xb8;
	[tilespmem:$0x1D600] =	vst v63  }
0x4f: {  	s16 =	smov.u32 s13  }
0x50: {  	p0 =	sne.s32 s13, $0x5000;
	s13 =	sadd.s32 $0xA00, s13;
	_ =	swait.ge [sflag:s29], $0x4000  }
0x51: {  	[sflag:s29] =	ssyncset.done $0x0  }
0x52: {  	s5 =	sadd.s32 $0xFFFFE000, s14;
	[sflag:s29] =	ssyncadd.s32 $0xFFFFC000  }
0x53: {  	[hbm4b:s5+s4] =	stream.linear.scatter [tilespmem:s20], [sflag:$0x6], $0x4000, $0x38;
	[tilespmem:$0x1D600] =	vst v63  }
0x54: {  	_ =	swait.ge [sflag:s30], $0x4000  }
0x55: {  	[sflag:s30] =	ssyncset.done $0x0  }
0x56: {  	s5 =	sadd.s32 $0xFFFFE800, s14;
	[sflag:s30] =	ssyncadd.s32 $0xFFFFC000  }
0x57: {  	[hbm4b:s5+s4] =	stream.linear.scatter [tilespmem:s21], [sflag:$0x7], $0x4000, $0x38;
	[tilespmem:$0x1D600] =	vst v63  }
0x58: {  	_ =	swait.ge [sflag:s31], $0x4000  }
0x59: {  	[sflag:s31] =	ssyncset.done $0x0  }
0x5a: {  	s5 =	sadd.s32 $0xFFFFF000, s14;
	[sflag:s31] =	ssyncadd.s32 $0xFFFFC000  }
0x5b: {  	[hbm4b:s5+s4] =	stream.linear.scatter [tilespmem:s23], [sflag:$0x8], $0x4000, $0x38;
	[tilespmem:$0x1D600] =	vst v63  }
0x5c: {  	_ =	swait.ge [sflag:s1], $0x4000  }
0x5d: {  	[sflag:s1] =	ssyncset.done $0x0  }
0x5e: {  	s5 =	sadd.s32 $0xFFFFF800, s14;
	[sflag:s1] =	ssyncadd.s32 $0xFFFFC000  }
0x5f: {  	[hbm4b:s5+s4] =	stream.linear.scatter [tilespmem:s25], [sflag:$0x9], $0x4000, $0x38;
	[tilespmem:$0x1D600] =	vst v63  }
0x60: {  	_ =	swait.ge [sflag:s0], $0x4000  }
0x61: {  	[sflag:s0] =	ssyncset.done $0x0  }
0x62: {  	[sflag:s0] =	ssyncadd.s32 $0xFFFFC000  }
0x63: {  	[hbm4b:s14+s4] =	stream.linear.scatter [tilespmem:s28], [sflag:$0xA], $0x4000, $0x38;
	[tilespmem:$0x1D600] =	vst v63  }
0x64: {  	_ =	swait.ge [sflag:s22], $0x4000  }
0x65: {  	s5 =	sshra.s32 s16, $0x2;
	[sflag:s22] =	ssyncset.done $0x0  }
0x66: {  	s16 =	sadd.s32 $0x280, s5;
	[sflag:s22] =	ssyncadd.s32 $0xFFFFC000  }
0x67: {  	[tilespmem:s20], [sflag:$0x1] =	stream.indirect.gather [hbm4b:s2+s19], $0x80, s16, s19, $0xb8;
	[tilespmem:$0x1D600] =	vst v63  }
0x68: {  	_ =	swait.ge [sflag:s24], $0x4000  }
0x69: {  	[sflag:s24] =	ssyncset.done $0x0  }
0x6a: {  	s16 =	sadd.s32 $0x300, s5;
	[sflag:s24] =	ssyncadd.s32 $0xFFFFC000  }
0x6b: {  	[tilespmem:s21], [sflag:$0x2] =	stream.indirect.gather [hbm4b:s2+s19], $0x80, s16, s19, $0xb8;
	[tilespmem:$0x1D600] =	vst v63  }
0x6c: {  	_ =	swait.ge [sflag:s26], $0x4000  }
0x6d: {  	[sflag:s26] =	ssyncset.done $0x0  }
0x6e: {  	s16 =	sadd.s32 $0x380, s5;
	[sflag:s26] =	ssyncadd.s32 $0xFFFFC000  }
0x6f: {  	[tilespmem:s23], [sflag:$0x3] =	stream.indirect.gather [hbm4b:s2+s19], $0x80, s16, s19, $0xb8;
	[tilespmem:$0x1D600] =	vst v63  }
0x70: {  	_ =	swait.ge [sflag:s3], $0x4000  }
0x71: {  	[sflag:s3] =	ssyncset.done $0x0  }
.Ltmp0:
0x72: {  	s16 =	sadd.s32 $0x400, s5;
	[sflag:s3] =	ssyncadd.s32 $0xFFFFC000;
	(pc) =	sbr.rel @p0 .LBB2_2-.Ltmp0, $4  }
0x73: {  	[tilespmem:s25], [sflag:$0x4] =	stream.indirect.gather [hbm4b:s2+s19], $0x80, s16, s19, $0xb8;
	[tilespmem:$0x1D600] =	vst v63  }
0x74: {  	_ =	swait.ge [sflag:s8], $0x4000  }
0x75: {  	[sflag:s8] =	ssyncset.done $0x0  }
0x76: {  	s14 =	sadd.s32 $0x2800, s14;
	s16 =	sadd.s32 $0x480, s5;
	[sflag:s8] =	ssyncadd.s32 $0xFFFFC000  }
0x77: {  	[tilespmem:s28], [sflag:$0x5] =	stream.indirect.gather [hbm4b:s2+s19], $0x80, s16, s19, $0xb8;
	[tilespmem:$0x1D600] =	vst v63  }
0x78: {  	_ =	swait.ge [sflag:s29], $0x4000  }
0x79: {  	[sflag:s29] =	ssyncset.done $0x0  }
0x7a: {  	s5 =	simm.s32 $0x0;
	s13 =	rddreg [dreg:$0x6];
	[sflag:s29] =	ssyncadd.s32 $0xFFFFC000  }
0x7b: {  	[hbm4b:s13+s5] =	stream.linear.scatter [tilespmem:s20], [sflag:$0x6], $0x4000, $0x38;
	[tilespmem:$0x1D600] =	vst v63  }
0x7c: {  	_ =	swait.ge [sflag:s30], $0x4000  }
0x7d: {  	[sflag:s30] =	ssyncset.done $0x0  }
0x7e: {  	s16 =	rddreg [dreg:$0x7];
	[sflag:s30] =	ssyncadd.s32 $0xFFFFC000  }
0x7f: {  	[hbm4b:s16+s5] =	stream.linear.scatter [tilespmem:s21], [sflag:$0x7], $0x4000, $0x38;
	[tilespmem:$0x1D600] =	vst v63  }
0x80: {  	_ =	swait.ge [sflag:s31], $0x4000  }
0x81: {  	[sflag:s31] =	ssyncset.done $0x0  }
0x82: {  	s14 =	rddreg [dreg:$0x8];
	[sflag:s31] =	ssyncadd.s32 $0xFFFFC000  }
0x83: {  	[hbm4b:s14+s5] =	stream.linear.scatter [tilespmem:s23], [sflag:$0x8], $0x4000, $0x38;
	[tilespmem:$0x1D600] =	vst v63  }
0x84: {  	_ =	swait.ge [sflag:s1], $0x4000  }
0x85: {  	[sflag:s1] =	ssyncset.done $0x0  }
0x86: {  	s16 =	rddreg [dreg:$0x9];
	[sflag:s1] =	ssyncadd.s32 $0xFFFFC000  }
0x87: {  	[hbm4b:s16+s5] =	stream.linear.scatter [tilespmem:s25], [sflag:$0x9], $0x4000, $0x38;
	[tilespmem:$0x1D600] =	vst v63  }
0x88: {  	_ =	swait.ge [sflag:s0], $0x4000  }
0x89: {  	[sflag:s0] =	ssyncset.done $0x0  }
0x8a: {  	s14 =	rddreg [dreg:$0xa];
	[sflag:s0] =	ssyncadd.s32 $0xFFFFC000  }
0x8b: {  	[hbm4b:s14+s5] =	stream.linear.scatter [tilespmem:s28], [sflag:$0xA], $0x4000, $0x38;
	[tilespmem:$0x1D600] =	vst v63  }
0x8c: {  	_ =	swait.ge [sflag:s22], $0x4000  }
0x8d: {  	[sflag:s22] =	ssyncset.done $0x0  }
0x8e: {  	[sflag:s22] =	ssyncadd.s32 $0xFFFFC000  }
0x8f: {  	_ =	swait.ge [sflag:s24], $0x4000  }
0x90: {  	[sflag:s24] =	ssyncset.done $0x0  }
0x91: {  	[sflag:s24] =	ssyncadd.s32 $0xFFFFC000  }
0x92: {  	_ =	swait.ge [sflag:s26], $0x4000  }
0x93: {  	[sflag:s26] =	ssyncset.done $0x0  }
0x94: {  	[sflag:s26] =	ssyncadd.s32 $0xFFFFC000  }
0x95: {  	_ =	swait.ge [sflag:s3], $0x4000  }
0x96: {  	[sflag:s3] =	ssyncset.done $0x0  }
0x97: {  	[sflag:s3] =	ssyncadd.s32 $0xFFFFC000  }
0x98: {  	_ =	swait.ge [sflag:s8], $0x4000  }
0x99: {  	[sflag:s8] =	ssyncset.done $0x0  }
0x9a: {  	s14 =	simm.s32 $0x15C00;
	s16 =	rddreg [dreg:$0xb];
	[sflag:s8] =	ssyncadd.s32 $0xFFFFC000  }
0x9b: {  	[tilespmem:s14], [sflag:$0xC] =	stream.linear.gather [hbm4b:s16+s5], $0x100, $0x38;
	[tilespmem:$0x1D600] =	vst v63  }
0x9c: {  	_ =	swait.ge [sflag:s18], $0x100  }
0x9d: {  	[sflag:s18] =	ssyncset.done $0x0  }
0x9e: {  	s16 =	simm.s32 $0x15D00;
	s13 =	rddreg [dreg:$0xc];
	[sflag:s18] =	ssyncadd.s32 $0xFFFFFF00  }
0x9f: {  	[tilespmem:s16], [sflag:$0xC] =	stream.linear.gather [hbm4b:s13+s5], $0x100, $0x38;
	[tilespmem:$0x1D600] =	vst v63  }
0xa0: {  	_ =	swait.ge [sflag:s18], $0x100  }
0xa1: {  	[sflag:s18] =	ssyncset.done $0x0  }
0xa2: {  	[sflag:s18] =	ssyncadd.s32 $0xFFFFFF00  }
0xa3: {  	[tilespmem:s12], [sflag:$0xB] =	stream.indirect.gather [hbm4b:s7+s11], $0x80, s14, s11, $0xb8;
	[tilespmem:$0x1D600] =	vst v63  }
0xa4: {  	s16 =	smov.u32 s7;
	s7 =	smov.u32 s9;
	s9 =	simm.s32 $0x18600  }
0xa5: {  	[tilespmem:s9], [sflag:$0xB] =	stream.indirect.gather [hbm4b:s7+s11], $0x80, s14, s11, $0xb8;
	[tilespmem:$0x1D600] =	vst v63  }
0xa6: {  	s13 =	simm.s32 $0x1AE00;
	s5 =	rddreg [dreg:$0x4]  }
0xa7: {  	[tilespmem:s13], [sflag:$0xB] =	stream.indirect.gather [hbm4b:s5+s11], $0x80, s14, s11, $0xb8;
	[tilespmem:$0x1D600] =	vst v63  }
0xa8: {  	_ =	swait.ge [sflag:s15], $0x2800  }
0xa9: {  	[sflag:s15] =	ssyncset.done $0x0  }
0xaa: {  	[sflag:s15] =	ssyncadd.s32 $0xFFFFD800  }
0xab: {  	_ =	swait.ge [sflag:s15], $0x2800  }
0xac: {  	[sflag:s15] =	ssyncset.done $0x0  }
0xad: {  	[sflag:s15] =	ssyncadd.s32 $0xFFFFD800  }
0xae: {  	_ =	swait.ge [sflag:s15], $0x2800  }
0xaf: {  	[sflag:s15] =	ssyncset.done $0x0  }
0xb0: {  	s13 =	simm.s32 $0x0;
	[sflag:s15] =	ssyncadd.s32 $0xFFFFD800  }
0xb1: {  	v12 =	vld [tilespmem:s13+$0x18600]  }
0xb2: {  	v17 =	vld [tilespmem:s13+$0x1AE00]  }
0xb3: {  	v19 =	vld [tilespmem:s13+$0x18610]  }
0xb4: {  	v20 =	vld [tilespmem:s13+$0x1AE10]  }
0xb5: {  	v5 =	vld [tilespmem:s13+$0x18620]  }
0xb6: {  	v10 =	vld [tilespmem:s13+$0x1AE20]  }
0xb7: {  	v8 =	vld [tilespmem:s13+$0x18630]  }
0xb8: {  	v11 =	vld [tilespmem:s13+$0x1AE30]  }
0xb9: {  	v7 =	vld [tilespmem:s13+$0x18640]  }
0xba: {  	v9 =	vld [tilespmem:s13+$0x1AE40]  }
0xbb: {  	v3 =	vld [tilespmem:s13+$0x18650]  }
0xbc: {  	v6 =	vld [tilespmem:s13+$0x1AE50]  }
0xbd: {  	v1 =	vld [tilespmem:s13+$0x18660]  }
0xbe: {  	v4 =	vld [tilespmem:s13+$0x1AE60]  }
0xbf: {  	v0 =	vld [tilespmem:s13+$0x18670]  }
0xc0: {  	v2 =	vld [tilespmem:s13+$0x1AE70]  }
0xc1: {  	v16 =	vld [tilespmem:s13+$0x15E00]  }
0xc2: {  	v15 =	vld [tilespmem:s13+$0x15E10]  }
0xc3: {  	v14 =	vld [tilespmem:s13+$0x15E20]  }
0xc4: {  	v13 =	vld [tilespmem:s13+$0x15E30];
	v18 =	vmul.f32 v17, v12  }
0xc5: {  	s14 =	simm.s32 $0x200;
	v17 =	vmul.f32 v20, v19;
	v12 =	vld [tilespmem:s13+$0x15E40]  }
.LBB2_4:
0xc6: {  	p0 =	sne.s32 s14, $0x9E00;
	v16 =	vadd.f32 v18, v16;
	v5 =	vmul.f32 v10, v5;
	v10 =	vld [tilespmem:s13+$0x15E50]  }
0xc7: {  	v8 =	vmul.f32 v11, v8;
	v15 =	vadd.f32 v17, v15;
	v11 =	vld [tilespmem:s13+$0x15E60]  }
0xc8: {  	s5 =	sshra.s32 s14, $0x2;
	v7 =	vmul.f32 v9, v7;
	[tilespmem:s13+$0x15E00] =	vst v16;
	v5 =	vadd.f32 v5, v14;
	v9 =	vld [tilespmem:s13+$0x15E70]  }
0xc9: {  	v3 =	vmul.f32 v6, v3;
	v17 =	vld [tilespmem:s5+$0x18600];
	[tilespmem:s13+$0x15E10] =	vst v15;
	v8 =	vadd.f32 v8, v13  }
0xca: {  	v1 =	vmul.f32 v4, v1;
	v13 =	vld [tilespmem:s5+$0x1AE00];
	[tilespmem:s13+$0x15E20] =	vst v5;
	v5 =	vadd.f32 v7, v12  }
0xcb: {  	v0 =	vmul.f32 v2, v0;
	v12 =	vld [tilespmem:s5+$0x18610];
	[tilespmem:s13+$0x15E30] =	vst v8;
	v3 =	vadd.f32 v3, v10  }
0xcc: {  	v19 =	vld [tilespmem:s5+$0x1AE10];
	[tilespmem:s13+$0x15E40] =	vst v5;
	v1 =	vadd.f32 v1, v11  }
0xcd: {  	v5 =	vld [tilespmem:s5+$0x18620];
	[tilespmem:s13+$0x15E50] =	vst v3;
	v0 =	vadd.f32 v0, v9  }
0xce: {  	v10 =	vld [tilespmem:s5+$0x1AE20];
	[tilespmem:s13+$0x15E60] =	vst v1  }
0xcf: {  	v8 =	vld [tilespmem:s5+$0x18630];
	[tilespmem:s13+$0x15E70] =	vst v0;
	s13 =	smov.u32 s5  }
0xd0: {  	v11 =	vld [tilespmem:s13+$0x1AE30]  }
0xd1: {  	v7 =	vld [tilespmem:s13+$0x18640]  }
0xd2: {  	v9 =	vld [tilespmem:s13+$0x1AE40]  }
0xd3: {  	v3 =	vld [tilespmem:s13+$0x18650]  }
0xd4: {  	v6 =	vld [tilespmem:s13+$0x1AE50]  }
0xd5: {  	v1 =	vld [tilespmem:s13+$0x18660]  }
0xd6: {  	v4 =	vld [tilespmem:s13+$0x1AE60]  }
0xd7: {  	v0 =	vld [tilespmem:s13+$0x18670]  }
0xd8: {  	v2 =	vld [tilespmem:s13+$0x1AE70]  }
.Ltmp1:
0xd9: {  	v16 =	vld [tilespmem:s13+$0x15E00];
	(pc) =	sbr.rel @p0 .LBB2_4-.Ltmp1, $4  }
0xda: {  	v15 =	vld [tilespmem:s13+$0x15E10]  }
0xdb: {  	v14 =	vld [tilespmem:s13+$0x15E20]  }
0xdc: {  	v18 =	vmul.f32 v13, v17;
	v13 =	vld [tilespmem:s13+$0x15E30]  }
0xdd: {  	s14 =	sadd.s32 $0x200, s14;
	v17 =	vmul.f32 v19, v12;
	v12 =	vld [tilespmem:s13+$0x15E40]  }
0xde: {  	v16 =	vadd.f32 v18, v16;
	v18 =	vld [tilespmem:s13+$0x15E50];
	v5 =	vmul.f32 v10, v5  }
0xdf: {  	v10 =	vld [tilespmem:s13+$0x15E60];
	v8 =	vmul.f32 v11, v8;
	v15 =	vadd.f32 v17, v15  }
0xe0: {  	v7 =	vmul.f32 v9, v7;
	v9 =	vld [tilespmem:s13+$0x15E70];
	[tilespmem:s13+$0x15E00] =	vst v16;
	v5 =	vadd.f32 v5, v14  }
0xe1: {  	v3 =	vmul.f32 v6, v3;
	[tilespmem:s13+$0x15E10] =	vst v15;
	v8 =	vadd.f32 v8, v13  }
0xe2: {  	v1 =	vmul.f32 v4, v1;
	[tilespmem:s13+$0x15E20] =	vst v5;
	v5 =	vadd.f32 v7, v12  }
0xe3: {  	v0 =	vmul.f32 v2, v0;
	[tilespmem:s13+$0x15E30] =	vst v8;
	v3 =	vadd.f32 v3, v18  }
0xe4: {  	v1 =	vadd.f32 v1, v10;
	[tilespmem:s13+$0x15E40] =	vst v5  }
0xe5: {  	v0 =	vadd.f32 v0, v9;
	[tilespmem:s13+$0x15E50] =	vst v3  }
0xe6: {  	[tilespmem:s13+$0x15E60] =	vst v1  }
0xe7: {  	s5 =	simm.s32 $0x15D00;
	[tilespmem:s13+$0x15E70] =	vst v0  }
0xe8: {  	[hbm4b:s6+s11] =	stream.indirect.scatter [tilespmem:s12], [sflag:$0xB], $0x80, s5, s11, $0xb8;
	[tilespmem:$0x1D600] =	vst v63  }
0xe9: {  	_ =	swait.ge [sflag:s15], $0x2800  }
0xea: {  	[sflag:s15] =	ssyncset.done $0x0  }
0xeb: {  	s5 =	simm.s32 $0x15C80;
	[sflag:s15] =	ssyncadd.s32 $0xFFFFD800  }
0xec: {  	[tilespmem:s12], [sflag:$0xB] =	stream.indirect.gather [hbm4b:s16+s11], $0x80, s5, s11, $0xb8;
	[tilespmem:$0x1D600] =	vst v63  }
0xed: {  	_ = 	snop  }
0xee: {  	[tilespmem:s9], [sflag:$0xB] =	stream.indirect.gather [hbm4b:s7+s11], $0x80, s5, s11, $0xb8;
	[tilespmem:$0x1D600] =	vst v63  }
0xef: {  	s14 =	simm.s32 $0x1AE00;
	s9 =	rddreg [dreg:$0x4]  }
0xf0: {  	[tilespmem:s14], [sflag:$0xB] =	stream.indirect.gather [hbm4b:s9+s11], $0x80, s5, s11, $0xb8;
	[tilespmem:$0x1D600] =	vst v63  }
0xf1: {  	_ =	swait.ge [sflag:s15], $0x2800  }
0xf2: {  	[sflag:s15] =	ssyncset.done $0x0  }
0xf3: {  	[sflag:s15] =	ssyncadd.s32 $0xFFFFD800  }
0xf4: {  	_ =	swait.ge [sflag:s15], $0x2800  }
0xf5: {  	[sflag:s15] =	ssyncset.done $0x0  }
0xf6: {  	[sflag:s15] =	ssyncadd.s32 $0xFFFFD800  }
0xf7: {  	_ =	swait.ge [sflag:s15], $0x2800  }
0xf8: {  	[sflag:s15] =	ssyncset.done $0x0  }
0xf9: {  	s13 =	simm.s32 $0x0;
	[sflag:s15] =	ssyncadd.s32 $0xFFFFD800  }
0xfa: {  	v12 =	vld [tilespmem:s13+$0x18600]  }
0xfb: {  	v17 =	vld [tilespmem:s13+$0x1AE00]  }
0xfc: {  	v19 =	vld [tilespmem:s13+$0x18610]  }
0xfd: {  	v20 =	vld [tilespmem:s13+$0x1AE10]  }
0xfe: {  	v5 =	vld [tilespmem:s13+$0x18620]  }
0xff: {  	v10 =	vld [tilespmem:s13+$0x1AE20]  }
0x100: {  	v8 =	vld [tilespmem:s13+$0x18630]  }
0x101: {  	v11 =	vld [tilespmem:s13+$0x1AE30]  }
0x102: {  	v7 =	vld [tilespmem:s13+$0x18640]  }
0x103: {  	v9 =	vld [tilespmem:s13+$0x1AE40]  }
0x104: {  	v3 =	vld [tilespmem:s13+$0x18650]  }
0x105: {  	v6 =	vld [tilespmem:s13+$0x1AE50]  }
0x106: {  	v1 =	vld [tilespmem:s13+$0x18660]  }
0x107: {  	v4 =	vld [tilespmem:s13+$0x1AE60]  }
0x108: {  	v0 =	vld [tilespmem:s13+$0x18670]  }
0x109: {  	v2 =	vld [tilespmem:s13+$0x1AE70]  }
0x10a: {  	v16 =	vld [tilespmem:s13+$0x15E00]  }
0x10b: {  	v15 =	vld [tilespmem:s13+$0x15E10]  }
0x10c: {  	v14 =	vld [tilespmem:s13+$0x15E20]  }
0x10d: {  	v13 =	vld [tilespmem:s13+$0x15E30];
	v18 =	vmul.f32 v17, v12  }
0x10e: {  	s14 =	simm.s32 $0x200;
	v17 =	vmul.f32 v20, v19;
	v12 =	vld [tilespmem:s13+$0x15E40]  }
.LBB2_6:
0x10f: {  	p0 =	sne.s32 s14, $0x9E00;
	v16 =	vadd.f32 v18, v16;
	v5 =	vmul.f32 v10, v5;
	v10 =	vld [tilespmem:s13+$0x15E50]  }
0x110: {  	v8 =	vmul.f32 v11, v8;
	v15 =	vadd.f32 v17, v15;
	v11 =	vld [tilespmem:s13+$0x15E60]  }
0x111: {  	s5 =	sshra.s32 s14, $0x2;
	v7 =	vmul.f32 v9, v7;
	[tilespmem:s13+$0x15E00] =	vst v16;
	v5 =	vadd.f32 v5, v14;
	v9 =	vld [tilespmem:s13+$0x15E70]  }
0x112: {  	v3 =	vmul.f32 v6, v3;
	v17 =	vld [tilespmem:s5+$0x18600];
	[tilespmem:s13+$0x15E10] =	vst v15;
	v8 =	vadd.f32 v8, v13  }
0x113: {  	v1 =	vmul.f32 v4, v1;
	v13 =	vld [tilespmem:s5+$0x1AE00];
	[tilespmem:s13+$0x15E20] =	vst v5;
	v5 =	vadd.f32 v7, v12  }
0x114: {  	v0 =	vmul.f32 v2, v0;
	v12 =	vld [tilespmem:s5+$0x18610];
	[tilespmem:s13+$0x15E30] =	vst v8;
	v3 =	vadd.f32 v3, v10  }
0x115: {  	v19 =	vld [tilespmem:s5+$0x1AE10];
	[tilespmem:s13+$0x15E40] =	vst v5;
	v1 =	vadd.f32 v1, v11  }
0x116: {  	v5 =	vld [tilespmem:s5+$0x18620];
	[tilespmem:s13+$0x15E50] =	vst v3;
	v0 =	vadd.f32 v0, v9  }
0x117: {  	v10 =	vld [tilespmem:s5+$0x1AE20];
	[tilespmem:s13+$0x15E60] =	vst v1  }
0x118: {  	v8 =	vld [tilespmem:s5+$0x18630];
	[tilespmem:s13+$0x15E70] =	vst v0;
	s13 =	smov.u32 s5  }
0x119: {  	v11 =	vld [tilespmem:s13+$0x1AE30]  }
0x11a: {  	v7 =	vld [tilespmem:s13+$0x18640]  }
0x11b: {  	v9 =	vld [tilespmem:s13+$0x1AE40]  }
0x11c: {  	v3 =	vld [tilespmem:s13+$0x18650]  }
0x11d: {  	v6 =	vld [tilespmem:s13+$0x1AE50]  }
0x11e: {  	v1 =	vld [tilespmem:s13+$0x18660]  }
0x11f: {  	v4 =	vld [tilespmem:s13+$0x1AE60]  }
0x120: {  	v0 =	vld [tilespmem:s13+$0x18670]  }
0x121: {  	v2 =	vld [tilespmem:s13+$0x1AE70]  }
.Ltmp2:
0x122: {  	v16 =	vld [tilespmem:s13+$0x15E00];
	(pc) =	sbr.rel @p0 .LBB2_6-.Ltmp2, $4  }
0x123: {  	v15 =	vld [tilespmem:s13+$0x15E10]  }
0x124: {  	v14 =	vld [tilespmem:s13+$0x15E20]  }
0x125: {  	v18 =	vmul.f32 v13, v17;
	v13 =	vld [tilespmem:s13+$0x15E30]  }
0x126: {  	s14 =	sadd.s32 $0x200, s14;
	v17 =	vmul.f32 v19, v12;
	v12 =	vld [tilespmem:s13+$0x15E40]  }
0x127: {  	v16 =	vadd.f32 v18, v16;
	v60 =	vld [tilespmem:s13+$0x15E50];
	v5 =	vmul.f32 v10, v5  }
0x128: {  	v61 =	vld [tilespmem:s13+$0x15E60];
	v8 =	vmul.f32 v11, v8;
	v15 =	vadd.f32 v17, v15  }
0x129: {  	v7 =	vmul.f32 v9, v7;
	v62 =	vld [tilespmem:s13+$0x15E70];
	[tilespmem:s13+$0x15E00] =	vst v16;
	v5 =	vadd.f32 v5, v14  }
0x12a: {  	v3 =	vmul.f32 v6, v3;
	[tilespmem:s13+$0x15E10] =	vst v15;
	v8 =	vadd.f32 v8, v13  }
0x12b: {  	v1 =	vmul.f32 v4, v1;
	[tilespmem:s13+$0x15E20] =	vst v5;
	v63 =	vadd.f32 v7, v12  }
0x12c: {  	v0 =	vmul.f32 v2, v0;
	[tilespmem:s13+$0x15E30] =	vst v8;
	v3 =	vadd.f32 v3, v60  }
0x12d: {  	v1 =	vadd.f32 v1, v61;
	[tilespmem:s13+$0x15E40] =	vst v63  }
0x12e: {  	v0 =	vadd.f32 v0, v62;
	[tilespmem:s13+$0x15E50] =	vst v3  }
0x12f: {  	[tilespmem:s13+$0x15E60] =	vst v1  }
0x130: {  	s5 =	simm.s32 $0x15D80;
	[tilespmem:s13+$0x15E70] =	vst v0  }
0x131: {  	[hbm4b:s6+s11] =	stream.indirect.scatter [tilespmem:s12], [sflag:$0xB], $0x80, s5, s11, $0xb8;
	[tilespmem:$0x1D600] =	vst v63  }
0x132: {  	_ =	swait.ge [sflag:s15], $0x2800  }
0x133: {  	s10 =	sadd.s32 $0x1, s10;
	s14 =	rddreg [dreg:$0xd]  }
0x134: {  	p0 =	sne.s32 s10, s14  }
.Ltmp3:
0x135: {  	_ = 	snop;
	(pc) =	sbr.rel @p0 .LBB2_1-.Ltmp3, $3  }
0x136: {  	_ =	sdelay $0x1  }
0x137: {  	[sflag:s15] =	ssyncset.done $0x0  }
0x138: {  	[sflag:s15] =	ssyncadd.s32 $0xFFFFD800  }
0x139: {  	_ =	sfence.sel $0x180000  }
0x13a: {  	[bflag:$0x0] =	sbarrier.arrive $0xFFFF  }
0x13b: {  	_ =	strace $0x90000047  }
0x13c: {  	s0 =	stileid.u32;
	[bflag:$0x2] =	sbarrier.arrive $0xFFFF  }
0x13d: {  	p0 =	sne.s32 s0, $0x0;
	s0 =	rddreg [dreg:$0x3]  }
0x13e: {  	s0 =	sadd.s32 @!p0 $0x100000, s0  }
0x13f: {  	[sflag:s0] =	ssyncadd.tile.s32 @!p0 $0x1;
	_ =	shalt  }
.Lfunc_end2:
_tile_overlayer_lowered:
.L_overlay_start_2:
0x140: {  	(tag) =	ssettag $0x2  }
0x141: {  	s0 =	rddreg [dreg:$0x0];
	s2 =	stileid.u32  }
0x142: {  	s1 =	rddreg [dreg:$0x1];
	p0 =	sne.s32 s2, $0x0  }
0x143: {  	s3 =	rddreg [dreg:$0x2];
	[bflag:$0x3] =	sbarrier.arrive $0xFFFF;
	s2 =	simm.s32 @!p0 $0x1C0C  }
0x144: {  	[timem:s3], [sflag:s2] =	dma.local @!p0 [hbm:s0], s1  }
0x145: {  	s0 =	simm.s32 @!p0 $0xC  }
0x146: {  	_ =	swait.ge @!p0 [sflag:s0], s1  }
0x147: {  	s1 =	ssub.s32 @!p0 $0x0, s1;
	[sflag:s0] =	ssyncset.done @!p0 $0x0  }
0x148: {  	[sflag:s0] =	ssyncadd.s32 @!p0 s1  }
0x149: {  	[bflag:$0x3] =	sbarrier.arrive $0xFFFF  }
0x14a: {  	_ =	shalt  }

</sc_bundles>
